<compile_context>
chip_gen: v7x
topology: tpu7x:2x2x1
jax: 0.10.2.dev20260603
libtpu: 0.0.44.dev20260713+nightly
codegen_flags: <defaults>
</compile_context>

<pallas_src>
import functools

import jax
import jax.numpy as jnp
from jax import lax
from jax.experimental import pallas as pl
from jax.experimental.pallas import tpu as pltpu
from jax.experimental.pallas import tpu_sc as plsc

N_NODES = 10000
N_EDGES = 320000
D = 128

NC = 2
NS = 16
N_PAD = 10240

EPT = N_EDGES // (NC * NS)
CHUNK = 40
NCHUNK = EPT // CHUNK
M = 4
ROWS_PER_TILE = N_PAD // NS

S_LO = 2
S_HI = 246


def _sc_segment_sums(x, sdx):
    mesh = plsc.VectorSubcoreMesh(core_axis_name="c", subcore_axis_name="s")

    @functools.partial(
        pl.kernel,
        mesh=mesh,
        out_type=[
            jax.ShapeDtypeStruct((NC * N_PAD, D), jnp.float32),
            jax.ShapeDtypeStruct((NC * N_PAD,), jnp.float32),
        ],
        scratch_types=[
            pltpu.VMEM((M, 2, CHUNK), jnp.int32),
            pltpu.VMEM((M, CHUNK, D), jnp.float32),
            pltpu.VMEM((CHUNK,), jnp.float32),
            pltpu.VMEM((ROWS_PER_TILE,), jnp.float32),
            pltpu.VMEM_SHARED((N_PAD, D), jnp.float32),
            pltpu.VMEM_SHARED((N_PAD,), jnp.float32),
        ]
        + [pltpu.SemaphoreType.DMA] * (4 * M),
    )
    def k(x_hbm, sdx_hbm, out_hbm, outc_hbm,
          sdx_v, rows_v, ones_v, zb_v, acc_sh, cacc_sh, *sems):
        isem = sems[:M]
        gsem = sems[M:2 * M]
        ssem = sems[2 * M:3 * M]
        csem = sems[3 * M:]
        cid = lax.axis_index("c")
        sid = lax.axis_index("s")
        row0 = sid * ROWS_PER_TILE

        z16 = jnp.zeros((16,), jnp.float32)
        o16 = jnp.ones((16,), jnp.float32)

        def zrow(r, carry):
            for j in range(D // 16):
                rows_v[0, r, pl.ds(j * 16, 16)] = z16
            return carry

        lax.fori_loop(0, CHUNK, zrow, 0)

        def zacc(t, carry):
            pltpu.sync_copy(
                rows_v.at[0], acc_sh.at[pl.ds(row0 + t * CHUNK, CHUNK)])
            return carry

        lax.fori_loop(0, ROWS_PER_TILE // CHUNK, zacc, 0)

        def zb(t, carry):
            zb_v[pl.ds(t * 16, 16)] = z16
            return carry

        lax.fori_loop(0, ROWS_PER_TILE // 16, zb, 0)
        pltpu.sync_copy(zb_v, cacc_sh.at[pl.ds(row0, ROWS_PER_TILE)])
        ones_v[pl.ds(0, 16)] = o16
        ones_v[pl.ds(16, 16)] = o16
        ones_v[pl.ds(CHUNK - 16, 16)] = o16
        plsc.subcore_barrier()

        def ld_start(si, i):
            pltpu.async_copy(sdx_hbm.at[cid, sid, i], sdx_v.at[si],
                             isem[si])

        def ld_wait(si, i):
            pltpu.make_async_copy(
                sdx_hbm.at[cid, sid, i], sdx_v.at[si], isem[si]).wait()

        def g_start(b, i):
            pltpu.async_copy(
                x_hbm.at[sdx_v.at[b, 1]], rows_v.at[b], gsem[b])

        def g_wait(b, i):
            pltpu.make_async_copy(
                x_hbm.at[sdx_v.at[b, 1]], rows_v.at[b], gsem[b]).wait()

        def s_start(b, i):
            pltpu.async_copy(
                rows_v.at[b], acc_sh.at[sdx_v.at[b, 0]], ssem[b],
                add=True)

        def s_wait(b, i):
            pltpu.make_async_copy(
                rows_v.at[b], acc_sh.at[sdx_v.at[b, 0]], ssem[b]).wait()

        def c_start(b, i):
            pltpu.async_copy(
                ones_v, cacc_sh.at[sdx_v.at[b, 0]], csem[b], add=True)

        def c_wait(b, i):
            pltpu.make_async_copy(
                ones_v, cacc_sh.at[sdx_v.at[b, 0]], csem[b]).wait()

        n = NCHUNK

        def emit(c):
            if 0 <= c - 2:
                s_wait((c - 2) % M, c - 2)
                c_wait((c - 2) % M, c - 2)
            if c + 2 < n:
                ld_start((c + 2) % M, c + 2)
            if 0 <= c + 1 < n:
                ld_wait((c + 1) % M, c + 1)
                g_start((c + 1) % M, c + 1)
            if 0 <= c < n:
                g_wait(c % M, c)
                s_start(c % M, c)
                c_start(c % M, c)

        for c in range(-2, S_LO):
            emit(c)

        def body(p, carry):
            c0 = S_LO + 4 * p
            for j in range(4):
                c = c0 + j
                b0 = (S_LO + j) % M
                b1 = (S_LO + j + 1) % M
                b2 = (S_LO + j + 2) % M

                s_wait(b2, c - 2)
                c_wait(b2, c - 2)
                ld_start(b2, c + 2)
                ld_wait(b1, c + 1)
                g_start(b1, c + 1)
                g_wait(b0, c)
                s_start(b0, c)
                c_start(b0, c)
            return carry

        lax.fori_loop(0, (S_HI - S_LO) // 4, body, 0)
        for c in range(S_HI, n + 2):
            emit(c)

        plsc.subcore_barrier()
        pltpu.sync_copy(
            acc_sh.at[pl.ds(row0, ROWS_PER_TILE)],
            out_hbm.at[pl.ds(cid * N_PAD + row0, ROWS_PER_TILE)],
        )
        pltpu.sync_copy(
            cacc_sh.at[pl.ds(row0, ROWS_PER_TILE)],
            outc_hbm.at[pl.ds(cid * N_PAD + row0, ROWS_PER_TILE)],
        )

    return k(x, sdx)


def _tc_finish(parts, cnt, x, w):
    BR = 1024
    grid = N_PAD // BR

    def body(parts_ref, cnt_ref, x_ref, w_ref, o_ref):
        s = parts_ref[0] + parts_ref[1] + x_ref[...]
        c = cnt_ref[0] + cnt_ref[1] + 1.0
        acc = jnp.dot(s, w_ref[...], preferred_element_type=jnp.float32)
        o_ref[...] = acc / c

    return pl.pallas_call(
        body,
        grid=(grid,),
        in_specs=[
            pl.BlockSpec((NC, BR, D), lambda i: (0, i, 0)),
            pl.BlockSpec((NC, BR, 1), lambda i: (0, i, 0)),
            pl.BlockSpec((BR, D), lambda i: (i, 0)),
            pl.BlockSpec((D, D), lambda i: (0, 0)),
        ],
        out_specs=pl.BlockSpec((BR, D), lambda i: (i, 0)),
        out_shape=jax.ShapeDtypeStruct((N_PAD, D), jnp.float32),
    )(parts, cnt, x, w)


def kernel(input_matrix, adjacency_coo_matrix, W):
    x = input_matrix
    sdx = adjacency_coo_matrix.reshape(
        2, NC, NS, NCHUNK, CHUNK).transpose(1, 2, 3, 0, 4)
    raw, craw = _sc_segment_sums(x, sdx)
    parts = raw.reshape(NC, N_PAD, D)
    cnt = craw.reshape(NC, N_PAD, 1)
    xp = jnp.pad(x, ((0, N_PAD - N_NODES), (0, 0)))
    out = _tc_finish(parts, cnt, xp, W)
    return out[:N_NODES]

# --- scband reference (transcript-rebuilt; emitter-appended) ---
"""Pipeline reference for scband-mean-aggregator-6854767804435 (READ-ONLY COPY).

The authoritative reference and input builder live on the scoring server;
editing this copy changes nothing except your own understanding.
"""

import jax, jax.numpy as jnp
import numpy as np

N_NODES = 10000
N_EDGES = 320000
D_IN = 128
D_OUT = 128


def setup_inputs(seed: int = 0) -> dict:
    key = jax.random.key(seed)
    k1, k2, k3 = jax.random.split(key, 3)
    input_matrix = jax.random.normal(k1, (N_NODES, D_IN), dtype=jnp.float32)
    adjacency_coo_matrix = jax.random.randint(k2, (2, N_EDGES), 0, N_NODES, dtype=jnp.int32)
    # xavier_uniform init for weights matrix [D_IN, D_OUT]
    bound = float(np.sqrt(6.0 / (D_IN + D_OUT)))
    W = jax.random.uniform(k3, (D_IN, D_OUT), minval=-bound, maxval=bound, dtype=jnp.float32)
    return {"input_matrix": input_matrix, "adjacency_coo_matrix": adjacency_coo_matrix, "W": W}


def reference(input_matrix, adjacency_coo_matrix, W):
    n = input_matrix.shape[0]
    # add self edges to adjacency matrix
    self_idx = jnp.arange(n, dtype=adjacency_coo_matrix.dtype)
    self_loops = jnp.stack([self_idx, self_idx], axis=0)
    adj = jnp.concatenate([adjacency_coo_matrix, self_loops], axis=1)
    edge_src_idxs = adj[0]
    # gather neighbor features (indexed by adj[1])
    neighbors = jnp.take(input_matrix, adj[1], axis=0)
    # scatter_mean over src indices with dim_size = n
    sums = jax.ops.segment_sum(neighbors, edge_src_idxs, num_segments=n)
    counts = jax.ops.segment_sum(jnp.ones((adj.shape[1],), dtype=input_matrix.dtype), edge_src_idxs, num_segments=n)
    counts = jnp.maximum(counts, 1.0)
    mean = sums / counts[:, None]
    return mean @ W

if __name__ == "__main__":
    import jax
    _d = setup_inputs()
    print(jax.jit(kernel)(*tuple(_d.values())))

</pallas_src>

<mosaic_0001>
#map = affine_map<(d0, d1) -> (0, 0)>
#map1 = affine_map<(d0, d1) -> (0, 0, 0, 0, 0)>
#map2 = affine_map<(d0, d1) -> (0)>
module attributes {stable_mosaic.version = 14 : i64} {
  func.func @k(%arg0: i32, %arg1: i32, %arg2: memref<10000x128xf32, #tpu.memory_space<hbm>>, %arg3: memref<2x16x250x2x40xi32, #tpu.memory_space<hbm>>, %arg4: memref<20480x128xf32, #tpu.memory_space<hbm>>, %arg5: memref<20480xf32, #tpu.memory_space<hbm>>, %arg6: memref<4x2x40xi32, #tpu.memory_space<vmem>>, %arg7: memref<4x40x128xf32, #tpu.memory_space<vmem>>, %arg8: memref<40xf32, #tpu.memory_space<vmem>>, %arg9: memref<640xf32, #tpu.memory_space<vmem>>, %arg10: memref<10240x128xf32, #tpu.memory_space<vmem_shared>>, %arg11: memref<10240xf32, #tpu.memory_space<vmem_shared>>, %arg12: memref<!tpu.dma_semaphore, #tpu.memory_space<semaphore_mem>>, %arg13: memref<!tpu.dma_semaphore, #tpu.memory_space<semaphore_mem>>, %arg14: memref<!tpu.dma_semaphore, #tpu.memory_space<semaphore_mem>>, %arg15: memref<!tpu.dma_semaphore, #tpu.memory_space<semaphore_mem>>, %arg16: memref<!tpu.dma_semaphore, #tpu.memory_space<semaphore_mem>>, %arg17: memref<!tpu.dma_semaphore, #tpu.memory_space<semaphore_mem>>, %arg18: memref<!tpu.dma_semaphore, #tpu.memory_space<semaphore_mem>>, %arg19: memref<!tpu.dma_semaphore, #tpu.memory_space<semaphore_mem>>, %arg20: memref<!tpu.dma_semaphore, #tpu.memory_space<semaphore_mem>>, %arg21: memref<!tpu.dma_semaphore, #tpu.memory_space<semaphore_mem>>, %arg22: memref<!tpu.dma_semaphore, #tpu.memory_space<semaphore_mem>>, %arg23: memref<!tpu.dma_semaphore, #tpu.memory_space<semaphore_mem>>, %arg24: memref<!tpu.dma_semaphore, #tpu.memory_space<semaphore_mem>>, %arg25: memref<!tpu.dma_semaphore, #tpu.memory_space<semaphore_mem>>, %arg26: memref<!tpu.dma_semaphore, #tpu.memory_space<semaphore_mem>>, %arg27: memref<!tpu.dma_semaphore, #tpu.memory_space<semaphore_mem>>) attributes {dimension_semantics = [#tpu.dimension_semantics<core_parallel>, #tpu.dimension_semantics<subcore_parallel>], iteration_bounds = array<i64: 2, 16>, scalar_prefetch = 0 : i64, scratch_operands = 22 : i64, tpu.core_type = #tpu.core_type<sc_vector_subcore>, window_params = [{transform_indices = #map}, {transform_indices = #map1}, {transform_indices = #map}, {transform_indices = #map2}]} {
    %mul3A = arith.constant 640 : i32
    %mul3A_0 = arith.muli %arg1, %mul3A : i32
    %broadcast_in_dim3A = arith.constant 0.000000e+00 : f32
    %broadcast_in_dim3A_1 = vector.broadcast %broadcast_in_dim3A : f32 to vector<16xf32>
    %broadcast_in_dim3A_2 = arith.constant 1.000000e+00 : f32
    %broadcast_in_dim3A_3 = vector.broadcast %broadcast_in_dim3A_2 : f32 to vector<16xf32>
    %scan3A = arith.constant 0 : i32
    %scan3A_4 = arith.constant 0 : i32
    %scan3A_5 = arith.constant 40 : i32
    %scan3A_6 = arith.addi %scan3A_4, %scan3A_5 : i32
    %scan3A_7 = arith.constant 1 : i32
    scf.for %scan3A_654 = %scan3A_4 to %scan3A_6 step %scan3A_7  : i32 {
      %swap3A_655 = arith.constant 0 : i32
      %swap3A_656 = arith.index_cast %swap3A_655 : i32 to index
      %swap3A_657 = arith.index_cast %scan3A_654 : i32 to index
      %swap3A_658 = arith.constant 0 : index
      %swap3A_659 = tpu.vector_load %arg7[%swap3A_656, %swap3A_657, %swap3A_658] {strides = array<i32>} : memref<4x40x128xf32, #tpu.memory_space<vmem>>, vector<1x1x16xf32>,
      %swap3A_660 = vector.shape_cast %swap3A_659 : vector<1x1x16xf32> to vector<16xf32>
      %swap3A_661 = vector.shape_cast %broadcast_in_dim3A_1 : vector<16xf32> to vector<1x1x16xf32>
      tpu.vector_store %arg7[%swap3A_656, %swap3A_657, %swap3A_658], %swap3A_661 {strides = array<i32>} : memref<4x40x128xf32, #tpu.memory_space<vmem>>, vector<1x1x16xf32>,
      %swap3A_662 = arith.constant 0 : i32
      %swap3A_663 = arith.index_cast %swap3A_662 : i32 to index
      %swap3A_664 = arith.index_cast %scan3A_654 : i32 to index
      %swap3A_665 = arith.constant 16 : index
      %swap3A_666 = tpu.vector_load %arg7[%swap3A_663, %swap3A_664, %swap3A_665] {strides = array<i32>} : memref<4x40x128xf32, #tpu.memory_space<vmem>>, vector<1x1x16xf32>,
      %swap3A_667 = vector.shape_cast %swap3A_666 : vector<1x1x16xf32> to vector<16xf32>
      %swap3A_668 = vector.shape_cast %broadcast_in_dim3A_1 : vector<16xf32> to vector<1x1x16xf32>
      tpu.vector_store %arg7[%swap3A_663, %swap3A_664, %swap3A_665], %swap3A_668 {strides = array<i32>} : memref<4x40x128xf32, #tpu.memory_space<vmem>>, vector<1x1x16xf32>,
      %swap3A_669 = arith.constant 0 : i32
      %swap3A_670 = arith.index_cast %swap3A_669 : i32 to index
      %swap3A_671 = arith.index_cast %scan3A_654 : i32 to index
      %swap3A_672 = arith.constant 32 : index
      %swap3A_673 = tpu.vector_load %arg7[%swap3A_670, %swap3A_671, %swap3A_672] {strides = array<i32>} : memref<4x40x128xf32, #tpu.memory_space<vmem>>, vector<1x1x16xf32>,
      %swap3A_674 = vector.shape_cast %swap3A_673 : vector<1x1x16xf32> to vector<16xf32>
      %swap3A_675 = vector.shape_cast %broadcast_in_dim3A_1 : vector<16xf32> to vector<1x1x16xf32>
      tpu.vector_store %arg7[%swap3A_670, %swap3A_671, %swap3A_672], %swap3A_675 {strides = array<i32>} : memref<4x40x128xf32, #tpu.memory_space<vmem>>, vector<1x1x16xf32>,
      %swap3A_676 = arith.constant 0 : i32
      %swap3A_677 = arith.index_cast %swap3A_676 : i32 to index
      %swap3A_678 = arith.index_cast %scan3A_654 : i32 to index
      %swap3A_679 = arith.constant 48 : index
      %swap3A_680 = tpu.vector_load %arg7[%swap3A_677, %swap3A_678, %swap3A_679] {strides = array<i32>} : memref<4x40x128xf32, #tpu.memory_space<vmem>>, vector<1x1x16xf32>,
      %swap3A_681 = vector.shape_cast %swap3A_680 : vector<1x1x16xf32> to vector<16xf32>
      %swap3A_682 = vector.shape_cast %broadcast_in_dim3A_1 : vector<16xf32> to vector<1x1x16xf32>
      tpu.vector_store %arg7[%swap3A_677, %swap3A_678, %swap3A_679], %swap3A_682 {strides = array<i32>} : memref<4x40x128xf32, #tpu.memory_space<vmem>>, vector<1x1x16xf32>,
      %swap3A_683 = arith.constant 0 : i32
      %swap3A_684 = arith.index_cast %swap3A_683 : i32 to index
      %swap3A_685 = arith.index_cast %scan3A_654 : i32 to index
      %swap3A_686 = arith.constant 64 : index
      %swap3A_687 = tpu.vector_load %arg7[%swap3A_684, %swap3A_685, %swap3A_686] {strides = array<i32>} : memref<4x40x128xf32, #tpu.memory_space<vmem>>, vector<1x1x16xf32>,
      %swap3A_688 = vector.shape_cast %swap3A_687 : vector<1x1x16xf32> to vector<16xf32>
      %swap3A_689 = vector.shape_cast %broadcast_in_dim3A_1 : vector<16xf32> to vector<1x1x16xf32>
      tpu.vector_store %arg7[%swap3A_684, %swap3A_685, %swap3A_686], %swap3A_689 {strides = array<i32>} : memref<4x40x128xf32, #tpu.memory_space<vmem>>, vector<1x1x16xf32>,
      %swap3A_690 = arith.constant 0 : i32
      %swap3A_691 = arith.index_cast %swap3A_690 : i32 to index
      %swap3A_692 = arith.index_cast %scan3A_654 : i32 to index
      %swap3A_693 = arith.constant 80 : index
      %swap3A_694 = tpu.vector_load %arg7[%swap3A_691, %swap3A_692, %swap3A_693] {strides = array<i32>} : memref<4x40x128xf32, #tpu.memory_space<vmem>>, vector<1x1x16xf32>,
      %swap3A_695 = vector.shape_cast %swap3A_694 : vector<1x1x16xf32> to vector<16xf32>
      %swap3A_696 = vector.shape_cast %broadcast_in_dim3A_1 : vector<16xf32> to vector<1x1x16xf32>
      tpu.vector_store %arg7[%swap3A_691, %swap3A_692, %swap3A_693], %swap3A_696 {strides = array<i32>} : memref<4x40x128xf32, #tpu.memory_space<vmem>>, vector<1x1x16xf32>,
      %swap3A_697 = arith.constant 0 : i32
      %swap3A_698 = arith.index_cast %swap3A_697 : i32 to index
      %swap3A_699 = arith.index_cast %scan3A_654 : i32 to index
      %swap3A_700 = arith.constant 96 : index
      %swap3A_701 = tpu.vector_load %arg7[%swap3A_698, %swap3A_699, %swap3A_700] {strides = array<i32>} : memref<4x40x128xf32, #tpu.memory_space<vmem>>, vector<1x1x16xf32>,
      %swap3A_702 = vector.shape_cast %swap3A_701 : vector<1x1x16xf32> to vector<16xf32>
      %swap3A_703 = vector.shape_cast %broadcast_in_dim3A_1 : vector<16xf32> to vector<1x1x16xf32>
      tpu.vector_store %arg7[%swap3A_698, %swap3A_699, %swap3A_700], %swap3A_703 {strides = array<i32>} : memref<4x40x128xf32, #tpu.memory_space<vmem>>, vector<1x1x16xf32>,
      %swap3A_704 = arith.constant 0 : i32
      %swap3A_705 = arith.index_cast %swap3A_704 : i32 to index
      %swap3A_706 = arith.index_cast %scan3A_654 : i32 to index
      %swap3A_707 = arith.constant 112 : index
      %swap3A_708 = tpu.vector_load %arg7[%swap3A_705, %swap3A_706, %swap3A_707] {strides = array<i32>} : memref<4x40x128xf32, #tpu.memory_space<vmem>>, vector<1x1x16xf32>,
      %swap3A_709 = vector.shape_cast %swap3A_708 : vector<1x1x16xf32> to vector<16xf32>
      %swap3A_710 = vector.shape_cast %broadcast_in_dim3A_1 : vector<16xf32> to vector<1x1x16xf32>
      tpu.vector_store %arg7[%swap3A_705, %swap3A_706, %swap3A_707], %swap3A_710 {strides = array<i32>} : memref<4x40x128xf32, #tpu.memory_space<vmem>>, vector<1x1x16xf32>,
    }
    %scan3A_8 = arith.constant 40 : i32
    %scan3A_9 = arith.constant 0 : i32
    %scan3A_10 = arith.constant 0 : i32
    %scan3A_11 = arith.constant 16 : i32
    %scan3A_12 = arith.addi %scan3A_10, %scan3A_11 : i32
    %scan3A_13 = arith.constant 1 : i32
    scf.for %scan3A_654 = %scan3A_10 to %scan3A_12 step %scan3A_13  : i32 {
      %mul3A_655 = arith.constant 40 : i32
      %mul3A_656 = arith.muli %scan3A_654, %mul3A_655 : i32
      %add3A_657 = arith.addi %mul3A_0, %mul3A_656 : i32
      %run_scoped3A = arith.constant 0 : i32
      "tpu.region"() ({
        %run_scoped3A_658 = tpu.sem_alloc : memref<!tpu.dma_semaphore, #tpu.memory_space<semaphore_mem>>
        %dma_start3A_659 = arith.constant 0 : i32
        %dma_start3A_660 = arith.constant 0 : i32
        %dma_start3A_661 = tpu.memref_slice %arg7[%run_scoped3A, %dma_start3A_659, %dma_start3A_660] : memref<4x40x128xf32, #tpu.memory_space<vmem>> -> memref<1x40x128xf32, #tpu.memory_space<vmem>>
        %dma_start3A_662 = tpu.memref_squeeze %dma_start3A_661 : memref<1x40x128xf32, #tpu.memory_space<vmem>> -> memref<40x128xf32, #tpu.memory_space<vmem>>
        %dma_start3A_663 = arith.constant 0 : i32
        %dma_start3A_664 = tpu.memref_slice %arg10[%add3A_657, %dma_start3A_663] : memref<10240x128xf32, #tpu.memory_space<vmem_shared>> -> memref<40x128xf32, #tpu.memory_space<vmem_shared>>
        %dma_start3A_665 = arith.constant 0 : i32
        %dma_start3A_666 = tpu.memref_slice %arg10[%add3A_657, %dma_start3A_665] : memref<10240x128xf32, #tpu.memory_space<vmem_shared>> -> memref<40x128xf32, #tpu.memory_space<vmem_shared>>
        %dma_start3A_667 = arith.constant 0 : i32
        %dma_start3A_668 = arith.constant 0 : i32
        %dma_start3A_669 = tpu.memref_slice %arg7[%run_scoped3A, %dma_start3A_667, %dma_start3A_668] : memref<4x40x128xf32, #tpu.memory_space<vmem>> -> memref<1x40x128xf32, #tpu.memory_space<vmem>>
        %dma_start3A_670 = tpu.memref_squeeze %dma_start3A_669 : memref<1x40x128xf32, #tpu.memory_space<vmem>> -> memref<40x128xf32, #tpu.memory_space<vmem>>
        tpu.enqueue_dma source(%dma_start3A_670 : memref<40x128xf32, #tpu.memory_space<vmem>>) target(%dma_start3A_666 : memref<40x128xf32, #tpu.memory_space<vmem_shared>>) target_semaphore(%run_scoped3A_658 : memref<!tpu.dma_semaphore, #tpu.memory_space<semaphore_mem>>)
        %dma_wait3A_671 = arith.constant 0 : i32
        %dma_wait3A_672 = arith.constant 0 : i32
        %dma_wait3A_673 = tpu.memref_slice %arg7[%run_scoped3A, %dma_wait3A_671, %dma_wait3A_672] : memref<4x40x128xf32, #tpu.memory_space<vmem>> -> memref<1x40x128xf32, #tpu.memory_space<vmem>>
        %dma_wait3A_674 = tpu.memref_squeeze %dma_wait3A_673 : memref<1x40x128xf32, #tpu.memory_space<vmem>> -> memref<40x128xf32, #tpu.memory_space<vmem>>
        %dma_wait3A_675 = arith.constant 0 : i32
        %dma_wait3A_676 = tpu.memref_slice %arg10[%add3A_657, %dma_wait3A_675] : memref<10240x128xf32, #tpu.memory_space<vmem_shared>> -> memref<40x128xf32, #tpu.memory_space<vmem_shared>>
        %dma_wait3A_677 = arith.constant 0 : i32
        %dma_wait3A_678 = tpu.memref_slice %arg10[%add3A_657, %dma_wait3A_677] : memref<10240x128xf32, #tpu.memory_space<vmem_shared>> -> memref<40x128xf32, #tpu.memory_space<vmem_shared>>
        %dma_wait3A_679 = arith.constant 0 : i32
        %dma_wait3A_680 = arith.constant 0 : i32
        %dma_wait3A_681 = tpu.memref_slice %arg7[%run_scoped3A, %dma_wait3A_679, %dma_wait3A_680] : memref<4x40x128xf32, #tpu.memory_space<vmem>> -> memref<1x40x128xf32, #tpu.memory_space<vmem>>
        %dma_wait3A_682 = tpu.memref_squeeze %dma_wait3A_681 : memref<1x40x128xf32, #tpu.memory_space<vmem>> -> memref<40x128xf32, #tpu.memory_space<vmem>>
        tpu.wait_dma2 semaphore(%run_scoped3A_658 : memref<!tpu.dma_semaphore, #tpu.memory_space<semaphore_mem>>) src(%dma_wait3A_682 : memref<40x128xf32, #tpu.memory_space<vmem>>) dst(%dma_wait3A_678 : memref<40x128xf32, #tpu.memory_space<vmem_shared>>)
        tpu.yield
      }) : () -> ()
    }
    %scan3A_14 = arith.constant 16 : i32
    %scan3A_15 = arith.constant 0 : i32
    %scan3A_16 = arith.constant 0 : i32
    %scan3A_17 = arith.constant 40 : i32
    %scan3A_18 = arith.addi %scan3A_16, %scan3A_17 : i32
    %scan3A_19 = arith.constant 1 : i32
    scf.for %scan3A_654 = %scan3A_16 to %scan3A_18 step %scan3A_19  : i32 {
      %mul3A_655 = arith.constant 16 : i32
      %mul3A_656 = arith.muli %scan3A_654, %mul3A_655 : i32
      %swap3A_657 = arith.index_cast %mul3A_656 : i32 to index
      %swap3A_658 = tpu.vector_load %arg9[%swap3A_657] {strides = array<i32>} : memref<640xf32, #tpu.memory_space<vmem>>, vector<16xf32>,
      %swap3A_659 = vector.shape_cast %swap3A_658 : vector<16xf32> to vector<16xf32>
      %swap3A_660 = vector.shape_cast %broadcast_in_dim3A_1 : vector<16xf32> to vector<16xf32>
      tpu.vector_store %arg9[%swap3A_657], %swap3A_660 {strides = array<i32>} : memref<640xf32, #tpu.memory_space<vmem>>, vector<16xf32>,
    }
    %scan3A_20 = arith.constant 40 : i32
    "tpu.region"() ({
      %run_scoped3A = tpu.sem_alloc : memref<!tpu.dma_semaphore, #tpu.memory_space<semaphore_mem>>
      %dma_start3A_654 = tpu.memref_slice %arg11[%mul3A_0] : memref<10240xf32, #tpu.memory_space<vmem_shared>> -> memref<640xf32, #tpu.memory_space<vmem_shared>>
      %dma_start3A_655 = tpu.memref_slice %arg11[%mul3A_0] : memref<10240xf32, #tpu.memory_space<vmem_shared>> -> memref<640xf32, #tpu.memory_space<vmem_shared>>
      tpu.enqueue_dma source(%arg9 : memref<640xf32, #tpu.memory_space<vmem>>) target(%dma_start3A_655 : memref<640xf32, #tpu.memory_space<vmem_shared>>) target_semaphore(%run_scoped3A : memref<!tpu.dma_semaphore, #tpu.memory_space<semaphore_mem>>)
      %dma_wait3A_656 = tpu.memref_slice %arg11[%mul3A_0] : memref<10240xf32, #tpu.memory_space<vmem_shared>> -> memref<640xf32, #tpu.memory_space<vmem_shared>>
      %dma_wait3A_657 = tpu.memref_slice %arg11[%mul3A_0] : memref<10240xf32, #tpu.memory_space<vmem_shared>> -> memref<640xf32, #tpu.memory_space<vmem_shared>>
      tpu.wait_dma2 semaphore(%run_scoped3A : memref<!tpu.dma_semaphore, #tpu.memory_space<semaphore_mem>>) src(%arg9 : memref<640xf32, #tpu.memory_space<vmem>>) dst(%dma_wait3A_657 : memref<640xf32, #tpu.memory_space<vmem_shared>>)
      tpu.yield
    }) : () -> ()
    %swap3A = arith.constant 0 : index
    %swap3A_21 = tpu.vector_load %arg8[%swap3A] {strides = array<i32>} : memref<40xf32, #tpu.memory_space<vmem>>, vector<16xf32>,
    %swap3A_22 = vector.shape_cast %swap3A_21 : vector<16xf32> to vector<16xf32>
    %swap3A_23 = vector.shape_cast %broadcast_in_dim3A_3 : vector<16xf32> to vector<16xf32>
    tpu.vector_store %arg8[%swap3A], %swap3A_23 {strides = array<i32>} : memref<40xf32, #tpu.memory_space<vmem>>, vector<16xf32>,
    %swap3A_24 = arith.constant 16 : index
    %swap3A_25 = tpu.vector_load %arg8[%swap3A_24] {strides = array<i32>} : memref<40xf32, #tpu.memory_space<vmem>>, vector<16xf32>,
    %swap3A_26 = vector.shape_cast %swap3A_25 : vector<16xf32> to vector<16xf32>
    %swap3A_27 = vector.shape_cast %broadcast_in_dim3A_3 : vector<16xf32> to vector<16xf32>
    tpu.vector_store %arg8[%swap3A_24], %swap3A_27 {strides = array<i32>} : memref<40xf32, #tpu.memory_space<vmem>>, vector<16xf32>,
    %swap3A_28 = arith.constant 24 : index
    %swap3A_29 = tpu.vector_load %arg8[%swap3A_28] {strides = array<i32>} : memref<40xf32, #tpu.memory_space<vmem>>, vector<16xf32>,
    %swap3A_30 = vector.shape_cast %swap3A_29 : vector<16xf32> to vector<16xf32>
    %swap3A_31 = vector.shape_cast %broadcast_in_dim3A_3 : vector<16xf32> to vector<16xf32>
    tpu.vector_store %arg8[%swap3A_28], %swap3A_31 {strides = array<i32>} : memref<40xf32, #tpu.memory_space<vmem>>, vector<16xf32>,
    %barrier3A = arith.constant 0 : index
    tpu.barrier barrier_id(%barrier3A)
    %dma_start3A = arith.constant 0 : i32
    %dma_start3A_32 = arith.constant 0 : i32
    %dma_start3A_33 = arith.constant 0 : i32
    %dma_start3A_34 = arith.constant 0 : i32
    %dma_start3A_35 = tpu.memref_slice %arg6[%dma_start3A_32, %dma_start3A_33, %dma_start3A_34] : memref<4x2x40xi32, #tpu.memory_space<vmem>> -> memref<1x2x40xi32, #tpu.memory_space<vmem>>
    %dma_start3A_36 = tpu.memref_squeeze %dma_start3A_35 : memref<1x2x40xi32, #tpu.memory_space<vmem>> -> memref<2x40xi32, #tpu.memory_space<vmem>>
    %dma_start3A_37 = arith.constant 0 : i32
    %dma_start3A_38 = arith.constant 0 : i32
    %dma_start3A_39 = tpu.memref_slice %arg3[%arg0, %arg1, %dma_start3A, %dma_start3A_37, %dma_start3A_38] : memref<2x16x250x2x40xi32, #tpu.memory_space<hbm>> -> memref<1x1x1x2x40xi32, #tpu.memory_space<hbm>>
    %dma_start3A_40 = tpu.memref_squeeze %dma_start3A_39 : memref<1x1x1x2x40xi32, #tpu.memory_space<hbm>> -> memref<2x40xi32, #tpu.memory_space<hbm>>
    %dma_start3A_41 = arith.constant 0 : i32
    %dma_start3A_42 = arith.constant 0 : i32
    %dma_start3A_43 = tpu.memref_slice %arg6[%dma_start3A_32, %dma_start3A_41, %dma_start3A_42] : memref<4x2x40xi32, #tpu.memory_space<vmem>> -> memref<1x2x40xi32, #tpu.memory_space<vmem>>
    %dma_start3A_44 = tpu.memref_squeeze %dma_start3A_43 : memref<1x2x40xi32, #tpu.memory_space<vmem>> -> memref<2x40xi32, #tpu.memory_space<vmem>>
    %dma_start3A_45 = arith.constant 0 : i32
    %dma_start3A_46 = arith.constant 0 : i32
    %dma_start3A_47 = tpu.memref_slice %arg3[%arg0, %arg1, %dma_start3A, %dma_start3A_45, %dma_start3A_46] : memref<2x16x250x2x40xi32, #tpu.memory_space<hbm>> -> memref<1x1x1x2x40xi32, #tpu.memory_space<hbm>>
    %dma_start3A_48 = tpu.memref_squeeze %dma_start3A_47 : memref<1x1x1x2x40xi32, #tpu.memory_space<hbm>> -> memref<2x40xi32, #tpu.memory_space<hbm>>
    tpu.enqueue_dma source(%dma_start3A_48 : memref<2x40xi32, #tpu.memory_space<hbm>>) target(%dma_start3A_44 : memref<2x40xi32, #tpu.memory_space<vmem>>) target_semaphore(%arg12 : memref<!tpu.dma_semaphore, #tpu.memory_space<semaphore_mem>>)
    %dma_start3A_49 = arith.constant 1 : i32
    %dma_start3A_50 = arith.constant 1 : i32
    %dma_start3A_51 = arith.constant 0 : i32
    %dma_start3A_52 = arith.constant 0 : i32
    %dma_start3A_53 = tpu.memref_slice %arg6[%dma_start3A_50, %dma_start3A_51, %dma_start3A_52] : memref<4x2x40xi32, #tpu.memory_space<vmem>> -> memref<1x2x40xi32, #tpu.memory_space<vmem>>
    %dma_start3A_54 = tpu.memref_squeeze %dma_start3A_53 : memref<1x2x40xi32, #tpu.memory_space<vmem>> -> memref<2x40xi32, #tpu.memory_space<vmem>>
    %dma_start3A_55 = arith.constant 0 : i32
    %dma_start3A_56 = arith.constant 0 : i32
    %dma_start3A_57 = tpu.memref_slice %arg3[%arg0, %arg1, %dma_start3A_49, %dma_start3A_55, %dma_start3A_56] : memref<2x16x250x2x40xi32, #tpu.memory_space<hbm>> -> memref<1x1x1x2x40xi32, #tpu.memory_space<hbm>>
    %dma_start3A_58 = tpu.memref_squeeze %dma_start3A_57 : memref<1x1x1x2x40xi32, #tpu.memory_space<hbm>> -> memref<2x40xi32, #tpu.memory_space<hbm>>
    %dma_start3A_59 = arith.constant 0 : i32
    %dma_start3A_60 = arith.constant 0 : i32
    %dma_start3A_61 = tpu.memref_slice %arg6[%dma_start3A_50, %dma_start3A_59, %dma_start3A_60] : memref<4x2x40xi32, #tpu.memory_space<vmem>> -> memref<1x2x40xi32, #tpu.memory_space<vmem>>
    %dma_start3A_62 = tpu.memref_squeeze %dma_start3A_61 : memref<1x2x40xi32, #tpu.memory_space<vmem>> -> memref<2x40xi32, #tpu.memory_space<vmem>>
    %dma_start3A_63 = arith.constant 0 : i32
    %dma_start3A_64 = arith.constant 0 : i32
    %dma_start3A_65 = tpu.memref_slice %arg3[%arg0, %arg1, %dma_start3A_49, %dma_start3A_63, %dma_start3A_64] : memref<2x16x250x2x40xi32, #tpu.memory_space<hbm>> -> memref<1x1x1x2x40xi32, #tpu.memory_space<hbm>>
    %dma_start3A_66 = tpu.memref_squeeze %dma_start3A_65 : memref<1x1x1x2x40xi32, #tpu.memory_space<hbm>> -> memref<2x40xi32, #tpu.memory_space<hbm>>
    tpu.enqueue_dma source(%dma_start3A_66 : memref<2x40xi32, #tpu.memory_space<hbm>>) target(%dma_start3A_62 : memref<2x40xi32, #tpu.memory_space<vmem>>) target_semaphore(%arg13 : memref<!tpu.dma_semaphore, #tpu.memory_space<semaphore_mem>>)
    %dma_wait3A = arith.constant 0 : i32
    %dma_wait3A_67 = arith.constant 0 : i32
    %dma_wait3A_68 = arith.constant 0 : i32
    %dma_wait3A_69 = arith.constant 0 : i32
    %dma_wait3A_70 = tpu.memref_slice %arg6[%dma_wait3A_67, %dma_wait3A_68, %dma_wait3A_69] : memref<4x2x40xi32, #tpu.memory_space<vmem>> -> memref<1x2x40xi32, #tpu.memory_space<vmem>>
    %dma_wait3A_71 = tpu.memref_squeeze %dma_wait3A_70 : memref<1x2x40xi32, #tpu.memory_space<vmem>> -> memref<2x40xi32, #tpu.memory_space<vmem>>
    %dma_wait3A_72 = arith.constant 0 : i32
    %dma_wait3A_73 = arith.constant 0 : i32
    %dma_wait3A_74 = tpu.memref_slice %arg3[%arg0, %arg1, %dma_wait3A, %dma_wait3A_72, %dma_wait3A_73] : memref<2x16x250x2x40xi32, #tpu.memory_space<hbm>> -> memref<1x1x1x2x40xi32, #tpu.memory_space<hbm>>
    %dma_wait3A_75 = tpu.memref_squeeze %dma_wait3A_74 : memref<1x1x1x2x40xi32, #tpu.memory_space<hbm>> -> memref<2x40xi32, #tpu.memory_space<hbm>>
    %dma_wait3A_76 = arith.constant 0 : i32
    %dma_wait3A_77 = arith.constant 0 : i32
    %dma_wait3A_78 = tpu.memref_slice %arg6[%dma_wait3A_67, %dma_wait3A_76, %dma_wait3A_77] : memref<4x2x40xi32, #tpu.memory_space<vmem>> -> memref<1x2x40xi32, #tpu.memory_space<vmem>>
    %dma_wait3A_79 = tpu.memref_squeeze %dma_wait3A_78 : memref<1x2x40xi32, #tpu.memory_space<vmem>> -> memref<2x40xi32, #tpu.memory_space<vmem>>
    %dma_wait3A_80 = arith.constant 0 : i32
    %dma_wait3A_81 = arith.constant 0 : i32
    %dma_wait3A_82 = tpu.memref_slice %arg3[%arg0, %arg1, %dma_wait3A, %dma_wait3A_80, %dma_wait3A_81] : memref<2x16x250x2x40xi32, #tpu.memory_space<hbm>> -> memref<1x1x1x2x40xi32, #tpu.memory_space<hbm>>
    %dma_wait3A_83 = tpu.memref_squeeze %dma_wait3A_82 : memref<1x1x1x2x40xi32, #tpu.memory_space<hbm>> -> memref<2x40xi32, #tpu.memory_space<hbm>>
    tpu.wait_dma2 semaphore(%arg12 : memref<!tpu.dma_semaphore, #tpu.memory_space<semaphore_mem>>) src(%dma_wait3A_83 : memref<2x40xi32, #tpu.memory_space<hbm>>) dst(%dma_wait3A_79 : memref<2x40xi32, #tpu.memory_space<vmem>>)
    %dma_start3A_84 = arith.constant 0 : i32
    %dma_start3A_85 = arith.constant 1 : i32
    %dma_start3A_86 = arith.constant 0 : i32
    %dma_start3A_87 = arith.constant 0 : i32
    %dma_start3A_88 = arith.constant 0 : i32
    %dma_start3A_89 = tpu.memref_slice %arg7[%dma_start3A_86, %dma_start3A_87, %dma_start3A_88] : memref<4x40x128xf32, #tpu.memory_space<vmem>> -> memref<1x40x128xf32, #tpu.memory_space<vmem>>
    %dma_start3A_90 = tpu.memref_squeeze %dma_start3A_89 : memref<1x40x128xf32, #tpu.memory_space<vmem>> -> memref<40x128xf32, #tpu.memory_space<vmem>>
    %dma_start3A_91 = arith.constant 0 : i32
    %dma_start3A_92 = tpu.memref_slice %arg6[%dma_start3A_84, %dma_start3A_85, %dma_start3A_91] : memref<4x2x40xi32, #tpu.memory_space<vmem>> -> memref<1x1x40xi32, #tpu.memory_space<vmem>>
    %dma_start3A_93 = tpu.memref_squeeze %dma_start3A_92 : memref<1x1x40xi32, #tpu.memory_space<vmem>> -> memref<40xi32, #tpu.memory_space<vmem>>
    %dma_start3A_94 = arith.constant 0 : i32
    %dma_start3A_95 = arith.constant 0 : i32
    %dma_start3A_96 = tpu.memref_slice %arg2[%dma_start3A_94, %dma_start3A_95] : memref<10000x128xf32, #tpu.memory_space<hbm>> -> memref<10000x128xf32, #tpu.memory_space<hbm>>
    tpu.enqueue_indirect_dma source(%dma_start3A_96 : memref<10000x128xf32, #tpu.memory_space<hbm>>) target(%dma_start3A_90 : memref<40x128xf32, #tpu.memory_space<vmem>>) offsets(%dma_start3A_93 : memref<40xi32, #tpu.memory_space<vmem>>) semaphore(%arg16 : memref<!tpu.dma_semaphore, #tpu.memory_space<semaphore_mem>>)
    %dma_start3A_97 = arith.constant 2 : i32
    %dma_start3A_98 = arith.constant 2 : i32
    %dma_start3A_99 = arith.constant 0 : i32
    %dma_start3A_100 = arith.constant 0 : i32
    %dma_start3A_101 = tpu.memref_slice %arg6[%dma_start3A_98, %dma_start3A_99, %dma_start3A_100] : memref<4x2x40xi32, #tpu.memory_space<vmem>> -> memref<1x2x40xi32, #tpu.memory_space<vmem>>
    %dma_start3A_102 = tpu.memref_squeeze %dma_start3A_101 : memref<1x2x40xi32, #tpu.memory_space<vmem>> -> memref<2x40xi32, #tpu.memory_space<vmem>>
    %dma_start3A_103 = arith.constant 0 : i32
    %dma_start3A_104 = arith.constant 0 : i32
    %dma_start3A_105 = tpu.memref_slice %arg3[%arg0, %arg1, %dma_start3A_97, %dma_start3A_103, %dma_start3A_104] : memref<2x16x250x2x40xi32, #tpu.memory_space<hbm>> -> memref<1x1x1x2x40xi32, #tpu.memory_space<hbm>>
    %dma_start3A_106 = tpu.memref_squeeze %dma_start3A_105 : memref<1x1x1x2x40xi32, #tpu.memory_space<hbm>> -> memref<2x40xi32, #tpu.memory_space<hbm>>
    %dma_start3A_107 = arith.constant 0 : i32
    %dma_start3A_108 = arith.constant 0 : i32
    %dma_start3A_109 = tpu.memref_slice %arg6[%dma_start3A_98, %dma_start3A_107, %dma_start3A_108] : memref<4x2x40xi32, #tpu.memory_space<vmem>> -> memref<1x2x40xi32, #tpu.memory_space<vmem>>
    %dma_start3A_110 = tpu.memref_squeeze %dma_start3A_109 : memref<1x2x40xi32, #tpu.memory_space<vmem>> -> memref<2x40xi32, #tpu.memory_space<vmem>>
    %dma_start3A_111 = arith.constant 0 : i32
    %dma_start3A_112 = arith.constant 0 : i32
    %dma_start3A_113 = tpu.memref_slice %arg3[%arg0, %arg1, %dma_start3A_97, %dma_start3A_111, %dma_start3A_112] : memref<2x16x250x2x40xi32, #tpu.memory_space<hbm>> -> memref<1x1x1x2x40xi32, #tpu.memory_space<hbm>>
    %dma_start3A_114 = tpu.memref_squeeze %dma_start3A_113 : memref<1x1x1x2x40xi32, #tpu.memory_space<hbm>> -> memref<2x40xi32, #tpu.memory_space<hbm>>
    tpu.enqueue_dma source(%dma_start3A_114 : memref<2x40xi32, #tpu.memory_space<hbm>>) target(%dma_start3A_110 : memref<2x40xi32, #tpu.memory_space<vmem>>) target_semaphore(%arg14 : memref<!tpu.dma_semaphore, #tpu.memory_space<semaphore_mem>>)
    %dma_wait3A_115 = arith.constant 1 : i32
    %dma_wait3A_116 = arith.constant 1 : i32
    %dma_wait3A_117 = arith.constant 0 : i32
    %dma_wait3A_118 = arith.constant 0 : i32
    %dma_wait3A_119 = tpu.memref_slice %arg6[%dma_wait3A_116, %dma_wait3A_117, %dma_wait3A_118] : memref<4x2x40xi32, #tpu.memory_space<vmem>> -> memref<1x2x40xi32, #tpu.memory_space<vmem>>
    %dma_wait3A_120 = tpu.memref_squeeze %dma_wait3A_119 : memref<1x2x40xi32, #tpu.memory_space<vmem>> -> memref<2x40xi32, #tpu.memory_space<vmem>>
    %dma_wait3A_121 = arith.constant 0 : i32
    %dma_wait3A_122 = arith.constant 0 : i32
    %dma_wait3A_123 = tpu.memref_slice %arg3[%arg0, %arg1, %dma_wait3A_115, %dma_wait3A_121, %dma_wait3A_122] : memref<2x16x250x2x40xi32, #tpu.memory_space<hbm>> -> memref<1x1x1x2x40xi32, #tpu.memory_space<hbm>>
    %dma_wait3A_124 = tpu.memref_squeeze %dma_wait3A_123 : memref<1x1x1x2x40xi32, #tpu.memory_space<hbm>> -> memref<2x40xi32, #tpu.memory_space<hbm>>
    %dma_wait3A_125 = arith.constant 0 : i32
    %dma_wait3A_126 = arith.constant 0 : i32
    %dma_wait3A_127 = tpu.memref_slice %arg6[%dma_wait3A_116, %dma_wait3A_125, %dma_wait3A_126] : memref<4x2x40xi32, #tpu.memory_space<vmem>> -> memref<1x2x40xi32, #tpu.memory_space<vmem>>
    %dma_wait3A_128 = tpu.memref_squeeze %dma_wait3A_127 : memref<1x2x40xi32, #tpu.memory_space<vmem>> -> memref<2x40xi32, #tpu.memory_space<vmem>>
    %dma_wait3A_129 = arith.constant 0 : i32
    %dma_wait3A_130 = arith.constant 0 : i32
    %dma_wait3A_131 = tpu.memref_slice %arg3[%arg0, %arg1, %dma_wait3A_115, %dma_wait3A_129, %dma_wait3A_130] : memref<2x16x250x2x40xi32, #tpu.memory_space<hbm>> -> memref<1x1x1x2x40xi32, #tpu.memory_space<hbm>>
    %dma_wait3A_132 = tpu.memref_squeeze %dma_wait3A_131 : memref<1x1x1x2x40xi32, #tpu.memory_space<hbm>> -> memref<2x40xi32, #tpu.memory_space<hbm>>
    tpu.wait_dma2 semaphore(%arg13 : memref<!tpu.dma_semaphore, #tpu.memory_space<semaphore_mem>>) src(%dma_wait3A_132 : memref<2x40xi32, #tpu.memory_space<hbm>>) dst(%dma_wait3A_128 : memref<2x40xi32, #tpu.memory_space<vmem>>)
    %dma_start3A_133 = arith.constant 1 : i32
    %dma_start3A_134 = arith.constant 1 : i32
    %dma_start3A_135 = arith.constant 1 : i32
    %dma_start3A_136 = arith.constant 0 : i32
    %dma_start3A_137 = arith.constant 0 : i32
    %dma_start3A_138 = tpu.memref_slice %arg7[%dma_start3A_135, %dma_start3A_136, %dma_start3A_137] : memref<4x40x128xf32, #tpu.memory_space<vmem>> -> memref<1x40x128xf32, #tpu.memory_space<vmem>>
    %dma_start3A_139 = tpu.memref_squeeze %dma_start3A_138 : memref<1x40x128xf32, #tpu.memory_space<vmem>> -> memref<40x128xf32, #tpu.memory_space<vmem>>
    %dma_start3A_140 = arith.constant 0 : i32
    %dma_start3A_141 = tpu.memref_slice %arg6[%dma_start3A_133, %dma_start3A_134, %dma_start3A_140] : memref<4x2x40xi32, #tpu.memory_space<vmem>> -> memref<1x1x40xi32, #tpu.memory_space<vmem>>
    %dma_start3A_142 = tpu.memref_squeeze %dma_start3A_141 : memref<1x1x40xi32, #tpu.memory_space<vmem>> -> memref<40xi32, #tpu.memory_space<vmem>>
    %dma_start3A_143 = arith.constant 0 : i32
    %dma_start3A_144 = arith.constant 0 : i32
    %dma_start3A_145 = tpu.memref_slice %arg2[%dma_start3A_143, %dma_start3A_144] : memref<10000x128xf32, #tpu.memory_space<hbm>> -> memref<10000x128xf32, #tpu.memory_space<hbm>>
    tpu.enqueue_indirect_dma source(%dma_start3A_145 : memref<10000x128xf32, #tpu.memory_space<hbm>>) target(%dma_start3A_139 : memref<40x128xf32, #tpu.memory_space<vmem>>) offsets(%dma_start3A_142 : memref<40xi32, #tpu.memory_space<vmem>>) semaphore(%arg17 : memref<!tpu.dma_semaphore, #tpu.memory_space<semaphore_mem>>)
    %dma_wait3A_146 = arith.constant 0 : i32
    %dma_wait3A_147 = arith.constant 1 : i32
    %dma_wait3A_148 = arith.constant 0 : i32
    %dma_wait3A_149 = arith.constant 0 : i32
    %dma_wait3A_150 = arith.constant 0 : i32
    %dma_wait3A_151 = tpu.memref_slice %arg7[%dma_wait3A_148, %dma_wait3A_149, %dma_wait3A_150] : memref<4x40x128xf32, #tpu.memory_space<vmem>> -> memref<1x40x128xf32, #tpu.memory_space<vmem>>
    %dma_wait3A_152 = tpu.memref_squeeze %dma_wait3A_151 : memref<1x40x128xf32, #tpu.memory_space<vmem>> -> memref<40x128xf32, #tpu.memory_space<vmem>>
    %dma_wait3A_153 = arith.constant 0 : i32
    %dma_wait3A_154 = tpu.memref_slice %arg6[%dma_wait3A_146, %dma_wait3A_147, %dma_wait3A_153] : memref<4x2x40xi32, #tpu.memory_space<vmem>> -> memref<1x1x40xi32, #tpu.memory_space<vmem>>
    %dma_wait3A_155 = tpu.memref_squeeze %dma_wait3A_154 : memref<1x1x40xi32, #tpu.memory_space<vmem>> -> memref<40xi32, #tpu.memory_space<vmem>>
    %dma_wait3A_156 = arith.constant 0 : i32
    %dma_wait3A_157 = arith.constant 0 : i32
    %dma_wait3A_158 = tpu.memref_slice %arg2[%dma_wait3A_156, %dma_wait3A_157] : memref<10000x128xf32, #tpu.memory_space<hbm>> -> memref<10000x128xf32, #tpu.memory_space<hbm>>
    tpu.wait_indirect_dma semaphore(%arg16 : memref<!tpu.dma_semaphore, #tpu.memory_space<semaphore_mem>>) src(%dma_wait3A_158 : memref<10000x128xf32, #tpu.memory_space<hbm>>) dst(%dma_wait3A_152 : memref<40x128xf32, #tpu.memory_space<vmem>>)
    %dma_start3A_159 = arith.constant 0 : i32
    %dma_start3A_160 = arith.constant 0 : i32
    %dma_start3A_161 = arith.constant 0 : i32
    %dma_start3A_162 = arith.constant 0 : i32
    %dma_start3A_163 = arith.constant 0 : i32
    %dma_start3A_164 = tpu.memref_slice %arg7[%dma_start3A_159, %dma_start3A_162, %dma_start3A_163] : memref<4x40x128xf32, #tpu.memory_space<vmem>> -> memref<1x40x128xf32, #tpu.memory_space<vmem>>
    %dma_start3A_165 = tpu.memref_squeeze %dma_start3A_164 : memref<1x40x128xf32, #tpu.memory_space<vmem>> -> memref<40x128xf32, #tpu.memory_space<vmem>>
    %dma_start3A_166 = arith.constant 0 : i32
    %dma_start3A_167 = tpu.memref_slice %arg6[%dma_start3A_160, %dma_start3A_161, %dma_start3A_166] : memref<4x2x40xi32, #tpu.memory_space<vmem>> -> memref<1x1x40xi32, #tpu.memory_space<vmem>>
    %dma_start3A_168 = tpu.memref_squeeze %dma_start3A_167 : memref<1x1x40xi32, #tpu.memory_space<vmem>> -> memref<40xi32, #tpu.memory_space<vmem>>
    %dma_start3A_169 = arith.constant 0 : i32
    %dma_start3A_170 = arith.constant 0 : i32
    %dma_start3A_171 = tpu.memref_slice %arg10[%dma_start3A_169, %dma_start3A_170] : memref<10240x128xf32, #tpu.memory_space<vmem_shared>> -> memref<10240x128xf32, #tpu.memory_space<vmem_shared>>
    tpu.enqueue_indirect_dma source(%dma_start3A_165 : memref<40x128xf32, #tpu.memory_space<vmem>>) target(%dma_start3A_171 : memref<10240x128xf32, #tpu.memory_space<vmem_shared>>) offsets(%dma_start3A_168 : memref<40xi32, #tpu.memory_space<vmem>>) semaphore(%arg20 : memref<!tpu.dma_semaphore, #tpu.memory_space<semaphore_mem>>) {add = true}
    %dma_start3A_172 = arith.constant 0 : i32
    %dma_start3A_173 = arith.constant 0 : i32
    %dma_start3A_174 = arith.constant 0 : i32
    %dma_start3A_175 = tpu.memref_slice %arg6[%dma_start3A_172, %dma_start3A_173, %dma_start3A_174] : memref<4x2x40xi32, #tpu.memory_space<vmem>> -> memref<1x1x40xi32, #tpu.memory_space<vmem>>
    %dma_start3A_176 = tpu.memref_squeeze %dma_start3A_175 : memref<1x1x40xi32, #tpu.memory_space<vmem>> -> memref<40xi32, #tpu.memory_space<vmem>>
    %dma_start3A_177 = arith.constant 0 : i32
    %dma_start3A_178 = tpu.memref_slice %arg11[%dma_start3A_177] : memref<10240xf32, #tpu.memory_space<vmem_shared>> -> memref<10240xf32, #tpu.memory_space<vmem_shared>>
    tpu.enqueue_indirect_dma source(%arg8 : memref<40xf32, #tpu.memory_space<vmem>>) target(%dma_start3A_178 : memref<10240xf32, #tpu.memory_space<vmem_shared>>) offsets(%dma_start3A_176 : memref<40xi32, #tpu.memory_space<vmem>>) semaphore(%arg24 : memref<!tpu.dma_semaphore, #tpu.memory_space<semaphore_mem>>) {add = true}
    %dma_start3A_179 = arith.constant 3 : i32
    %dma_start3A_180 = arith.constant 3 : i32
    %dma_start3A_181 = arith.constant 0 : i32
    %dma_start3A_182 = arith.constant 0 : i32
    %dma_start3A_183 = tpu.memref_slice %arg6[%dma_start3A_180, %dma_start3A_181, %dma_start3A_182] : memref<4x2x40xi32, #tpu.memory_space<vmem>> -> memref<1x2x40xi32, #tpu.memory_space<vmem>>
    %dma_start3A_184 = tpu.memref_squeeze %dma_start3A_183 : memref<1x2x40xi32, #tpu.memory_space<vmem>> -> memref<2x40xi32, #tpu.memory_space<vmem>>
    %dma_start3A_185 = arith.constant 0 : i32
    %dma_start3A_186 = arith.constant 0 : i32
    %dma_start3A_187 = tpu.memref_slice %arg3[%arg0, %arg1, %dma_start3A_179, %dma_start3A_185, %dma_start3A_186] : memref<2x16x250x2x40xi32, #tpu.memory_space<hbm>> -> memref<1x1x1x2x40xi32, #tpu.memory_space<hbm>>
    %dma_start3A_188 = tpu.memref_squeeze %dma_start3A_187 : memref<1x1x1x2x40xi32, #tpu.memory_space<hbm>> -> memref<2x40xi32, #tpu.memory_space<hbm>>
    %dma_start3A_189 = arith.constant 0 : i32
    %dma_start3A_190 = arith.constant 0 : i32
    %dma_start3A_191 = tpu.memref_slice %arg6[%dma_start3A_180, %dma_start3A_189, %dma_start3A_190] : memref<4x2x40xi32, #tpu.memory_space<vmem>> -> memref<1x2x40xi32, #tpu.memory_space<vmem>>
    %dma_start3A_192 = tpu.memref_squeeze %dma_start3A_191 : memref<1x2x40xi32, #tpu.memory_space<vmem>> -> memref<2x40xi32, #tpu.memory_space<vmem>>
    %dma_start3A_193 = arith.constant 0 : i32
    %dma_start3A_194 = arith.constant 0 : i32
    %dma_start3A_195 = tpu.memref_slice %arg3[%arg0, %arg1, %dma_start3A_179, %dma_start3A_193, %dma_start3A_194] : memref<2x16x250x2x40xi32, #tpu.memory_space<hbm>> -> memref<1x1x1x2x40xi32, #tpu.memory_space<hbm>>
    %dma_start3A_196 = tpu.memref_squeeze %dma_start3A_195 : memref<1x1x1x2x40xi32, #tpu.memory_space<hbm>> -> memref<2x40xi32, #tpu.memory_space<hbm>>
    tpu.enqueue_dma source(%dma_start3A_196 : memref<2x40xi32, #tpu.memory_space<hbm>>) target(%dma_start3A_192 : memref<2x40xi32, #tpu.memory_space<vmem>>) target_semaphore(%arg15 : memref<!tpu.dma_semaphore, #tpu.memory_space<semaphore_mem>>)
    %dma_wait3A_197 = arith.constant 2 : i32
    %dma_wait3A_198 = arith.constant 2 : i32
    %dma_wait3A_199 = arith.constant 0 : i32
    %dma_wait3A_200 = arith.constant 0 : i32
    %dma_wait3A_201 = tpu.memref_slice %arg6[%dma_wait3A_198, %dma_wait3A_199, %dma_wait3A_200] : memref<4x2x40xi32, #tpu.memory_space<vmem>> -> memref<1x2x40xi32, #tpu.memory_space<vmem>>
    %dma_wait3A_202 = tpu.memref_squeeze %dma_wait3A_201 : memref<1x2x40xi32, #tpu.memory_space<vmem>> -> memref<2x40xi32, #tpu.memory_space<vmem>>
    %dma_wait3A_203 = arith.constant 0 : i32
    %dma_wait3A_204 = arith.constant 0 : i32
    %dma_wait3A_205 = tpu.memref_slice %arg3[%arg0, %arg1, %dma_wait3A_197, %dma_wait3A_203, %dma_wait3A_204] : memref<2x16x250x2x40xi32, #tpu.memory_space<hbm>> -> memref<1x1x1x2x40xi32, #tpu.memory_space<hbm>>
    %dma_wait3A_206 = tpu.memref_squeeze %dma_wait3A_205 : memref<1x1x1x2x40xi32, #tpu.memory_space<hbm>> -> memref<2x40xi32, #tpu.memory_space<hbm>>
    %dma_wait3A_207 = arith.constant 0 : i32
    %dma_wait3A_208 = arith.constant 0 : i32
    %dma_wait3A_209 = tpu.memref_slice %arg6[%dma_wait3A_198, %dma_wait3A_207, %dma_wait3A_208] : memref<4x2x40xi32, #tpu.memory_space<vmem>> -> memref<1x2x40xi32, #tpu.memory_space<vmem>>
    %dma_wait3A_210 = tpu.memref_squeeze %dma_wait3A_209 : memref<1x2x40xi32, #tpu.memory_space<vmem>> -> memref<2x40xi32, #tpu.memory_space<vmem>>
    %dma_wait3A_211 = arith.constant 0 : i32
    %dma_wait3A_212 = arith.constant 0 : i32
    %dma_wait3A_213 = tpu.memref_slice %arg3[%arg0, %arg1, %dma_wait3A_197, %dma_wait3A_211, %dma_wait3A_212] : memref<2x16x250x2x40xi32, #tpu.memory_space<hbm>> -> memref<1x1x1x2x40xi32, #tpu.memory_space<hbm>>
    %dma_wait3A_214 = tpu.memref_squeeze %dma_wait3A_213 : memref<1x1x1x2x40xi32, #tpu.memory_space<hbm>> -> memref<2x40xi32, #tpu.memory_space<hbm>>
    tpu.wait_dma2 semaphore(%arg14 : memref<!tpu.dma_semaphore, #tpu.memory_space<semaphore_mem>>) src(%dma_wait3A_214 : memref<2x40xi32, #tpu.memory_space<hbm>>) dst(%dma_wait3A_210 : memref<2x40xi32, #tpu.memory_space<vmem>>)
    %dma_start3A_215 = arith.constant 2 : i32
    %dma_start3A_216 = arith.constant 1 : i32
    %dma_start3A_217 = arith.constant 2 : i32
    %dma_start3A_218 = arith.constant 0 : i32
    %dma_start3A_219 = arith.constant 0 : i32
    %dma_start3A_220 = tpu.memref_slice %arg7[%dma_start3A_217, %dma_start3A_218, %dma_start3A_219] : memref<4x40x128xf32, #tpu.memory_space<vmem>> -> memref<1x40x128xf32, #tpu.memory_space<vmem>>
    %dma_start3A_221 = tpu.memref_squeeze %dma_start3A_220 : memref<1x40x128xf32, #tpu.memory_space<vmem>> -> memref<40x128xf32, #tpu.memory_space<vmem>>
    %dma_start3A_222 = arith.constant 0 : i32
    %dma_start3A_223 = tpu.memref_slice %arg6[%dma_start3A_215, %dma_start3A_216, %dma_start3A_222] : memref<4x2x40xi32, #tpu.memory_space<vmem>> -> memref<1x1x40xi32, #tpu.memory_space<vmem>>
    %dma_start3A_224 = tpu.memref_squeeze %dma_start3A_223 : memref<1x1x40xi32, #tpu.memory_space<vmem>> -> memref<40xi32, #tpu.memory_space<vmem>>
    %dma_start3A_225 = arith.constant 0 : i32
    %dma_start3A_226 = arith.constant 0 : i32
    %dma_start3A_227 = tpu.memref_slice %arg2[%dma_start3A_225, %dma_start3A_226] : memref<10000x128xf32, #tpu.memory_space<hbm>> -> memref<10000x128xf32, #tpu.memory_space<hbm>>
    tpu.enqueue_indirect_dma source(%dma_start3A_227 : memref<10000x128xf32, #tpu.memory_space<hbm>>) target(%dma_start3A_221 : memref<40x128xf32, #tpu.memory_space<vmem>>) offsets(%dma_start3A_224 : memref<40xi32, #tpu.memory_space<vmem>>) semaphore(%arg18 : memref<!tpu.dma_semaphore, #tpu.memory_space<semaphore_mem>>)
    %dma_wait3A_228 = arith.constant 1 : i32
    %dma_wait3A_229 = arith.constant 1 : i32
    %dma_wait3A_230 = arith.constant 1 : i32
    %dma_wait3A_231 = arith.constant 0 : i32
    %dma_wait3A_232 = arith.constant 0 : i32
    %dma_wait3A_233 = tpu.memref_slice %arg7[%dma_wait3A_230, %dma_wait3A_231, %dma_wait3A_232] : memref<4x40x128xf32, #tpu.memory_space<vmem>> -> memref<1x40x128xf32, #tpu.memory_space<vmem>>
    %dma_wait3A_234 = tpu.memref_squeeze %dma_wait3A_233 : memref<1x40x128xf32, #tpu.memory_space<vmem>> -> memref<40x128xf32, #tpu.memory_space<vmem>>
    %dma_wait3A_235 = arith.constant 0 : i32
    %dma_wait3A_236 = tpu.memref_slice %arg6[%dma_wait3A_228, %dma_wait3A_229, %dma_wait3A_235] : memref<4x2x40xi32, #tpu.memory_space<vmem>> -> memref<1x1x40xi32, #tpu.memory_space<vmem>>
    %dma_wait3A_237 = tpu.memref_squeeze %dma_wait3A_236 : memref<1x1x40xi32, #tpu.memory_space<vmem>> -> memref<40xi32, #tpu.memory_space<vmem>>
    %dma_wait3A_238 = arith.constant 0 : i32
    %dma_wait3A_239 = arith.constant 0 : i32
    %dma_wait3A_240 = tpu.memref_slice %arg2[%dma_wait3A_238, %dma_wait3A_239] : memref<10000x128xf32, #tpu.memory_space<hbm>> -> memref<10000x128xf32, #tpu.memory_space<hbm>>
    tpu.wait_indirect_dma semaphore(%arg17 : memref<!tpu.dma_semaphore, #tpu.memory_space<semaphore_mem>>) src(%dma_wait3A_240 : memref<10000x128xf32, #tpu.memory_space<hbm>>) dst(%dma_wait3A_234 : memref<40x128xf32, #tpu.memory_space<vmem>>)
    %dma_start3A_241 = arith.constant 1 : i32
    %dma_start3A_242 = arith.constant 1 : i32
    %dma_start3A_243 = arith.constant 0 : i32
    %dma_start3A_244 = arith.constant 0 : i32
    %dma_start3A_245 = arith.constant 0 : i32
    %dma_start3A_246 = tpu.memref_slice %arg7[%dma_start3A_241, %dma_start3A_244, %dma_start3A_245] : memref<4x40x128xf32, #tpu.memory_space<vmem>> -> memref<1x40x128xf32, #tpu.memory_space<vmem>>
    %dma_start3A_247 = tpu.memref_squeeze %dma_start3A_246 : memref<1x40x128xf32, #tpu.memory_space<vmem>> -> memref<40x128xf32, #tpu.memory_space<vmem>>
    %dma_start3A_248 = arith.constant 0 : i32
    %dma_start3A_249 = tpu.memref_slice %arg6[%dma_start3A_242, %dma_start3A_243, %dma_start3A_248] : memref<4x2x40xi32, #tpu.memory_space<vmem>> -> memref<1x1x40xi32, #tpu.memory_space<vmem>>
    %dma_start3A_250 = tpu.memref_squeeze %dma_start3A_249 : memref<1x1x40xi32, #tpu.memory_space<vmem>> -> memref<40xi32, #tpu.memory_space<vmem>>
    %dma_start3A_251 = arith.constant 0 : i32
    %dma_start3A_252 = arith.constant 0 : i32
    %dma_start3A_253 = tpu.memref_slice %arg10[%dma_start3A_251, %dma_start3A_252] : memref<10240x128xf32, #tpu.memory_space<vmem_shared>> -> memref<10240x128xf32, #tpu.memory_space<vmem_shared>>
    tpu.enqueue_indirect_dma source(%dma_start3A_247 : memref<40x128xf32, #tpu.memory_space<vmem>>) target(%dma_start3A_253 : memref<10240x128xf32, #tpu.memory_space<vmem_shared>>) offsets(%dma_start3A_250 : memref<40xi32, #tpu.memory_space<vmem>>) semaphore(%arg21 : memref<!tpu.dma_semaphore, #tpu.memory_space<semaphore_mem>>) {add = true}
    %dma_start3A_254 = arith.constant 1 : i32
    %dma_start3A_255 = arith.constant 0 : i32
    %dma_start3A_256 = arith.constant 0 : i32
    %dma_start3A_257 = tpu.memref_slice %arg6[%dma_start3A_254, %dma_start3A_255, %dma_start3A_256] : memref<4x2x40xi32, #tpu.memory_space<vmem>> -> memref<1x1x40xi32, #tpu.memory_space<vmem>>
    %dma_start3A_258 = tpu.memref_squeeze %dma_start3A_257 : memref<1x1x40xi32, #tpu.memory_space<vmem>> -> memref<40xi32, #tpu.memory_space<vmem>>
    %dma_start3A_259 = arith.constant 0 : i32
    %dma_start3A_260 = tpu.memref_slice %arg11[%dma_start3A_259] : memref<10240xf32, #tpu.memory_space<vmem_shared>> -> memref<10240xf32, #tpu.memory_space<vmem_shared>>
    tpu.enqueue_indirect_dma source(%arg8 : memref<40xf32, #tpu.memory_space<vmem>>) target(%dma_start3A_260 : memref<10240xf32, #tpu.memory_space<vmem_shared>>) offsets(%dma_start3A_258 : memref<40xi32, #tpu.memory_space<vmem>>) semaphore(%arg25 : memref<!tpu.dma_semaphore, #tpu.memory_space<semaphore_mem>>) {add = true}
    %scan3A_261 = arith.constant 0 : i32
    %scan3A_262 = arith.constant 0 : i32
    %scan3A_263 = arith.constant 61 : i32
    %scan3A_264 = arith.addi %scan3A_262, %scan3A_263 : i32
    %scan3A_265 = arith.constant 1 : i32
    scf.for %scan3A_654 = %scan3A_262 to %scan3A_264 step %scan3A_265  : i32 {
      %mul3A_655 = arith.constant 4 : i32
      %mul3A_656 = arith.muli %mul3A_655, %scan3A_654 : i32
      %add3A_657 = arith.constant 2 : i32
      %add3A_658 = arith.addi %add3A_657, %mul3A_656 : i32
      %add3A_659 = arith.constant 0 : i32
      %add3A_660 = arith.addi %add3A_658, %add3A_659 : i32
      %sub3A = arith.constant 2 : i32
      %sub3A_661 = arith.subi %add3A_660, %sub3A : i32
      %dma_wait3A_662 = arith.constant 0 : i32
      %dma_wait3A_663 = arith.constant 0 : i32
      %dma_wait3A_664 = arith.constant 0 : i32
      %dma_wait3A_665 = arith.constant 0 : i32
      %dma_wait3A_666 = arith.constant 0 : i32
      %dma_wait3A_667 = tpu.memref_slice %arg7[%dma_wait3A_662, %dma_wait3A_665, %dma_wait3A_666] : memref<4x40x128xf32, #tpu.memory_space<vmem>> -> memref<1x40x128xf32, #tpu.memory_space<vmem>>
      %dma_wait3A_668 = tpu.memref_squeeze %dma_wait3A_667 : memref<1x40x128xf32, #tpu.memory_space<vmem>> -> memref<40x128xf32, #tpu.memory_space<vmem>>
      %dma_wait3A_669 = arith.constant 0 : i32
      %dma_wait3A_670 = tpu.memref_slice %arg6[%dma_wait3A_663, %dma_wait3A_664, %dma_wait3A_669] : memref<4x2x40xi32, #tpu.memory_space<vmem>> -> memref<1x1x40xi32, #tpu.memory_space<vmem>>
      %dma_wait3A_671 = tpu.memref_squeeze %dma_wait3A_670 : memref<1x1x40xi32, #tpu.memory_space<vmem>> -> memref<40xi32, #tpu.memory_space<vmem>>
      %dma_wait3A_672 = arith.constant 0 : i32
      %dma_wait3A_673 = arith.constant 0 : i32
      %dma_wait3A_674 = tpu.memref_slice %arg10[%dma_wait3A_672, %dma_wait3A_673] : memref<10240x128xf32, #tpu.memory_space<vmem_shared>> -> memref<10240x128xf32, #tpu.memory_space<vmem_shared>>
      tpu.wait_indirect_dma semaphore(%arg20 : memref<!tpu.dma_semaphore, #tpu.memory_space<semaphore_mem>>) src(%dma_wait3A_668 : memref<40x128xf32, #tpu.memory_space<vmem>>) dst(%dma_wait3A_674 : memref<10240x128xf32, #tpu.memory_space<vmem_shared>>)
      %sub3A_675 = arith.constant 2 : i32
      %sub3A_676 = arith.subi %add3A_660, %sub3A_675 : i32
      %dma_wait3A_677 = arith.constant 0 : i32
      %dma_wait3A_678 = arith.constant 0 : i32
      %dma_wait3A_679 = arith.constant 0 : i32
      %dma_wait3A_680 = tpu.memref_slice %arg6[%dma_wait3A_677, %dma_wait3A_678, %dma_wait3A_679] : memref<4x2x40xi32, #tpu.memory_space<vmem>> -> memref<1x1x40xi32, #tpu.memory_space<vmem>>
      %dma_wait3A_681 = tpu.memref_squeeze %dma_wait3A_680 : memref<1x1x40xi32, #tpu.memory_space<vmem>> -> memref<40xi32, #tpu.memory_space<vmem>>
      %dma_wait3A_682 = arith.constant 0 : i32
      %dma_wait3A_683 = tpu.memref_slice %arg11[%dma_wait3A_682] : memref<10240xf32, #tpu.memory_space<vmem_shared>> -> memref<10240xf32, #tpu.memory_space<vmem_shared>>
      tpu.wait_indirect_dma semaphore(%arg24 : memref<!tpu.dma_semaphore, #tpu.memory_space<semaphore_mem>>) src(%arg8 : memref<40xf32, #tpu.memory_space<vmem>>) dst(%dma_wait3A_683 : memref<10240xf32, #tpu.memory_space<vmem_shared>>)
      %add3A_684 = arith.constant 2 : i32
      %add3A_685 = arith.addi %add3A_660, %add3A_684 : i32
      %dma_start3A_686 = arith.constant 0 : i32
      %dma_start3A_687 = arith.constant 0 : i32
      %dma_start3A_688 = arith.constant 0 : i32
      %dma_start3A_689 = tpu.memref_slice %arg6[%dma_start3A_686, %dma_start3A_687, %dma_start3A_688] : memref<4x2x40xi32, #tpu.memory_space<vmem>> -> memref<1x2x40xi32, #tpu.memory_space<vmem>>
      %dma_start3A_690 = tpu.memref_squeeze %dma_start3A_689 : memref<1x2x40xi32, #tpu.memory_space<vmem>> -> memref<2x40xi32, #tpu.memory_space<vmem>>
      %dma_start3A_691 = arith.constant 0 : i32
      %dma_start3A_692 = arith.constant 0 : i32
      %dma_start3A_693 = tpu.memref_slice %arg3[%arg0, %arg1, %add3A_685, %dma_start3A_691, %dma_start3A_692] : memref<2x16x250x2x40xi32, #tpu.memory_space<hbm>> -> memref<1x1x1x2x40xi32, #tpu.memory_space<hbm>>
      %dma_start3A_694 = tpu.memref_squeeze %dma_start3A_693 : memref<1x1x1x2x40xi32, #tpu.memory_space<hbm>> -> memref<2x40xi32, #tpu.memory_space<hbm>>
      %dma_start3A_695 = arith.constant 0 : i32
      %dma_start3A_696 = arith.constant 0 : i32
      %dma_start3A_697 = tpu.memref_slice %arg6[%dma_start3A_686, %dma_start3A_695, %dma_start3A_696] : memref<4x2x40xi32, #tpu.memory_space<vmem>> -> memref<1x2x40xi32, #tpu.memory_space<vmem>>
      %dma_start3A_698 = tpu.memref_squeeze %dma_start3A_697 : memref<1x2x40xi32, #tpu.memory_space<vmem>> -> memref<2x40xi32, #tpu.memory_space<vmem>>
      %dma_start3A_699 = arith.constant 0 : i32
      %dma_start3A_700 = arith.constant 0 : i32
      %dma_start3A_701 = tpu.memref_slice %arg3[%arg0, %arg1, %add3A_685, %dma_start3A_699, %dma_start3A_700] : memref<2x16x250x2x40xi32, #tpu.memory_space<hbm>> -> memref<1x1x1x2x40xi32, #tpu.memory_space<hbm>>
      %dma_start3A_702 = tpu.memref_squeeze %dma_start3A_701 : memref<1x1x1x2x40xi32, #tpu.memory_space<hbm>> -> memref<2x40xi32, #tpu.memory_space<hbm>>
      tpu.enqueue_dma source(%dma_start3A_702 : memref<2x40xi32, #tpu.memory_space<hbm>>) target(%dma_start3A_698 : memref<2x40xi32, #tpu.memory_space<vmem>>) target_semaphore(%arg12 : memref<!tpu.dma_semaphore, #tpu.memory_space<semaphore_mem>>)
      %add3A_703 = arith.constant 1 : i32
      %add3A_704 = arith.addi %add3A_660, %add3A_703 : i32
      %dma_wait3A_705 = arith.constant 3 : i32
      %dma_wait3A_706 = arith.constant 0 : i32
      %dma_wait3A_707 = arith.constant 0 : i32
      %dma_wait3A_708 = tpu.memref_slice %arg6[%dma_wait3A_705, %dma_wait3A_706, %dma_wait3A_707] : memref<4x2x40xi32, #tpu.memory_space<vmem>> -> memref<1x2x40xi32, #tpu.memory_space<vmem>>
      %dma_wait3A_709 = tpu.memref_squeeze %dma_wait3A_708 : memref<1x2x40xi32, #tpu.memory_space<vmem>> -> memref<2x40xi32, #tpu.memory_space<vmem>>
      %dma_wait3A_710 = arith.constant 0 : i32
      %dma_wait3A_711 = arith.constant 0 : i32
      %dma_wait3A_712 = tpu.memref_slice %arg3[%arg0, %arg1, %add3A_704, %dma_wait3A_710, %dma_wait3A_711] : memref<2x16x250x2x40xi32, #tpu.memory_space<hbm>> -> memref<1x1x1x2x40xi32, #tpu.memory_space<hbm>>
      %dma_wait3A_713 = tpu.memref_squeeze %dma_wait3A_712 : memref<1x1x1x2x40xi32, #tpu.memory_space<hbm>> -> memref<2x40xi32, #tpu.memory_space<hbm>>
      %dma_wait3A_714 = arith.constant 0 : i32
      %dma_wait3A_715 = arith.constant 0 : i32
      %dma_wait3A_716 = tpu.memref_slice %arg6[%dma_wait3A_705, %dma_wait3A_714, %dma_wait3A_715] : memref<4x2x40xi32, #tpu.memory_space<vmem>> -> memref<1x2x40xi32, #tpu.memory_space<vmem>>
      %dma_wait3A_717 = tpu.memref_squeeze %dma_wait3A_716 : memref<1x2x40xi32, #tpu.memory_space<vmem>> -> memref<2x40xi32, #tpu.memory_space<vmem>>
      %dma_wait3A_718 = arith.constant 0 : i32
      %dma_wait3A_719 = arith.constant 0 : i32
      %dma_wait3A_720 = tpu.memref_slice %arg3[%arg0, %arg1, %add3A_704, %dma_wait3A_718, %dma_wait3A_719] : memref<2x16x250x2x40xi32, #tpu.memory_space<hbm>> -> memref<1x1x1x2x40xi32, #tpu.memory_space<hbm>>
      %dma_wait3A_721 = tpu.memref_squeeze %dma_wait3A_720 : memref<1x1x1x2x40xi32, #tpu.memory_space<hbm>> -> memref<2x40xi32, #tpu.memory_space<hbm>>
      tpu.wait_dma2 semaphore(%arg15 : memref<!tpu.dma_semaphore, #tpu.memory_space<semaphore_mem>>) src(%dma_wait3A_721 : memref<2x40xi32, #tpu.memory_space<hbm>>) dst(%dma_wait3A_717 : memref<2x40xi32, #tpu.memory_space<vmem>>)
      %add3A_722 = arith.constant 1 : i32
      %add3A_723 = arith.addi %add3A_660, %add3A_722 : i32
      %dma_start3A_724 = arith.constant 3 : i32
      %dma_start3A_725 = arith.constant 1 : i32
      %dma_start3A_726 = arith.constant 3 : i32
      %dma_start3A_727 = arith.constant 0 : i32
      %dma_start3A_728 = arith.constant 0 : i32
      %dma_start3A_729 = tpu.memref_slice %arg7[%dma_start3A_726, %dma_start3A_727, %dma_start3A_728] : memref<4x40x128xf32, #tpu.memory_space<vmem>> -> memref<1x40x128xf32, #tpu.memory_space<vmem>>
      %dma_start3A_730 = tpu.memref_squeeze %dma_start3A_729 : memref<1x40x128xf32, #tpu.memory_space<vmem>> -> memref<40x128xf32, #tpu.memory_space<vmem>>
      %dma_start3A_731 = arith.constant 0 : i32
      %dma_start3A_732 = tpu.memref_slice %arg6[%dma_start3A_724, %dma_start3A_725, %dma_start3A_731] : memref<4x2x40xi32, #tpu.memory_space<vmem>> -> memref<1x1x40xi32, #tpu.memory_space<vmem>>
      %dma_start3A_733 = tpu.memref_squeeze %dma_start3A_732 : memref<1x1x40xi32, #tpu.memory_space<vmem>> -> memref<40xi32, #tpu.memory_space<vmem>>
      %dma_start3A_734 = arith.constant 0 : i32
      %dma_start3A_735 = arith.constant 0 : i32
      %dma_start3A_736 = tpu.memref_slice %arg2[%dma_start3A_734, %dma_start3A_735] : memref<10000x128xf32, #tpu.memory_space<hbm>> -> memref<10000x128xf32, #tpu.memory_space<hbm>>
      tpu.enqueue_indirect_dma source(%dma_start3A_736 : memref<10000x128xf32, #tpu.memory_space<hbm>>) target(%dma_start3A_730 : memref<40x128xf32, #tpu.memory_space<vmem>>) offsets(%dma_start3A_733 : memref<40xi32, #tpu.memory_space<vmem>>) semaphore(%arg19 : memref<!tpu.dma_semaphore, #tpu.memory_space<semaphore_mem>>)
      %dma_wait3A_737 = arith.constant 2 : i32
      %dma_wait3A_738 = arith.constant 1 : i32
      %dma_wait3A_739 = arith.constant 2 : i32
      %dma_wait3A_740 = arith.constant 0 : i32
      %dma_wait3A_741 = arith.constant 0 : i32
      %dma_wait3A_742 = tpu.memref_slice %arg7[%dma_wait3A_739, %dma_wait3A_740, %dma_wait3A_741] : memref<4x40x128xf32, #tpu.memory_space<vmem>> -> memref<1x40x128xf32, #tpu.memory_space<vmem>>
      %dma_wait3A_743 = tpu.memref_squeeze %dma_wait3A_742 : memref<1x40x128xf32, #tpu.memory_space<vmem>> -> memref<40x128xf32, #tpu.memory_space<vmem>>
      %dma_wait3A_744 = arith.constant 0 : i32
      %dma_wait3A_745 = tpu.memref_slice %arg6[%dma_wait3A_737, %dma_wait3A_738, %dma_wait3A_744] : memref<4x2x40xi32, #tpu.memory_space<vmem>> -> memref<1x1x40xi32, #tpu.memory_space<vmem>>
      %dma_wait3A_746 = tpu.memref_squeeze %dma_wait3A_745 : memref<1x1x40xi32, #tpu.memory_space<vmem>> -> memref<40xi32, #tpu.memory_space<vmem>>
      %dma_wait3A_747 = arith.constant 0 : i32
      %dma_wait3A_748 = arith.constant 0 : i32
      %dma_wait3A_749 = tpu.memref_slice %arg2[%dma_wait3A_747, %dma_wait3A_748] : memref<10000x128xf32, #tpu.memory_space<hbm>> -> memref<10000x128xf32, #tpu.memory_space<hbm>>
      tpu.wait_indirect_dma semaphore(%arg18 : memref<!tpu.dma_semaphore, #tpu.memory_space<semaphore_mem>>) src(%dma_wait3A_749 : memref<10000x128xf32, #tpu.memory_space<hbm>>) dst(%dma_wait3A_743 : memref<40x128xf32, #tpu.memory_space<vmem>>)
      %dma_start3A_750 = arith.constant 2 : i32
      %dma_start3A_751 = arith.constant 2 : i32
      %dma_start3A_752 = arith.constant 0 : i32
      %dma_start3A_753 = arith.constant 0 : i32
      %dma_start3A_754 = arith.constant 0 : i32
      %dma_start3A_755 = tpu.memref_slice %arg7[%dma_start3A_750, %dma_start3A_753, %dma_start3A_754] : memref<4x40x128xf32, #tpu.memory_space<vmem>> -> memref<1x40x128xf32, #tpu.memory_space<vmem>>
      %dma_start3A_756 = tpu.memref_squeeze %dma_start3A_755 : memref<1x40x128xf32, #tpu.memory_space<vmem>> -> memref<40x128xf32, #tpu.memory_space<vmem>>
      %dma_start3A_757 = arith.constant 0 : i32
      %dma_start3A_758 = tpu.memref_slice %arg6[%dma_start3A_751, %dma_start3A_752, %dma_start3A_757] : memref<4x2x40xi32, #tpu.memory_space<vmem>> -> memref<1x1x40xi32, #tpu.memory_space<vmem>>
      %dma_start3A_759 = tpu.memref_squeeze %dma_start3A_758 : memref<1x1x40xi32, #tpu.memory_space<vmem>> -> memref<40xi32, #tpu.memory_space<vmem>>
      %dma_start3A_760 = arith.constant 0 : i32
      %dma_start3A_761 = arith.constant 0 : i32
      %dma_start3A_762 = tpu.memref_slice %arg10[%dma_start3A_760, %dma_start3A_761] : memref<10240x128xf32, #tpu.memory_space<vmem_shared>> -> memref<10240x128xf32, #tpu.memory_space<vmem_shared>>
      tpu.enqueue_indirect_dma source(%dma_start3A_756 : memref<40x128xf32, #tpu.memory_space<vmem>>) target(%dma_start3A_762 : memref<10240x128xf32, #tpu.memory_space<vmem_shared>>) offsets(%dma_start3A_759 : memref<40xi32, #tpu.memory_space<vmem>>) semaphore(%arg22 : memref<!tpu.dma_semaphore, #tpu.memory_space<semaphore_mem>>) {add = true}
      %dma_start3A_763 = arith.constant 2 : i32
      %dma_start3A_764 = arith.constant 0 : i32
      %dma_start3A_765 = arith.constant 0 : i32
      %dma_start3A_766 = tpu.memref_slice %arg6[%dma_start3A_763, %dma_start3A_764, %dma_start3A_765] : memref<4x2x40xi32, #tpu.memory_space<vmem>> -> memref<1x1x40xi32, #tpu.memory_space<vmem>>
      %dma_start3A_767 = tpu.memref_squeeze %dma_start3A_766 : memref<1x1x40xi32, #tpu.memory_space<vmem>> -> memref<40xi32, #tpu.memory_space<vmem>>
      %dma_start3A_768 = arith.constant 0 : i32
      %dma_start3A_769 = tpu.memref_slice %arg11[%dma_start3A_768] : memref<10240xf32, #tpu.memory_space<vmem_shared>> -> memref<10240xf32, #tpu.memory_space<vmem_shared>>
      tpu.enqueue_indirect_dma source(%arg8 : memref<40xf32, #tpu.memory_space<vmem>>) target(%dma_start3A_769 : memref<10240xf32, #tpu.memory_space<vmem_shared>>) offsets(%dma_start3A_767 : memref<40xi32, #tpu.memory_space<vmem>>) semaphore(%arg26 : memref<!tpu.dma_semaphore, #tpu.memory_space<semaphore_mem>>) {add = true}
      %add3A_770 = arith.constant 1 : i32
      %add3A_771 = arith.addi %add3A_658, %add3A_770 : i32
      %sub3A_772 = arith.constant 2 : i32
      %sub3A_773 = arith.subi %add3A_771, %sub3A_772 : i32
      %dma_wait3A_774 = arith.constant 1 : i32
      %dma_wait3A_775 = arith.constant 1 : i32
      %dma_wait3A_776 = arith.constant 0 : i32
      %dma_wait3A_777 = arith.constant 0 : i32
      %dma_wait3A_778 = arith.constant 0 : i32
      %dma_wait3A_779 = tpu.memref_slice %arg7[%dma_wait3A_774, %dma_wait3A_777, %dma_wait3A_778] : memref<4x40x128xf32, #tpu.memory_space<vmem>> -> memref<1x40x128xf32, #tpu.memory_space<vmem>>
      %dma_wait3A_780 = tpu.memref_squeeze %dma_wait3A_779 : memref<1x40x128xf32, #tpu.memory_space<vmem>> -> memref<40x128xf32, #tpu.memory_space<vmem>>
      %dma_wait3A_781 = arith.constant 0 : i32
      %dma_wait3A_782 = tpu.memref_slice %arg6[%dma_wait3A_775, %dma_wait3A_776, %dma_wait3A_781] : memref<4x2x40xi32, #tpu.memory_space<vmem>> -> memref<1x1x40xi32, #tpu.memory_space<vmem>>
      %dma_wait3A_783 = tpu.memref_squeeze %dma_wait3A_782 : memref<1x1x40xi32, #tpu.memory_space<vmem>> -> memref<40xi32, #tpu.memory_space<vmem>>
      %dma_wait3A_784 = arith.constant 0 : i32
      %dma_wait3A_785 = arith.constant 0 : i32
      %dma_wait3A_786 = tpu.memref_slice %arg10[%dma_wait3A_784, %dma_wait3A_785] : memref<10240x128xf32, #tpu.memory_space<vmem_shared>> -> memref<10240x128xf32, #tpu.memory_space<vmem_shared>>
      tpu.wait_indirect_dma semaphore(%arg21 : memref<!tpu.dma_semaphore, #tpu.memory_space<semaphore_mem>>) src(%dma_wait3A_780 : memref<40x128xf32, #tpu.memory_space<vmem>>) dst(%dma_wait3A_786 : memref<10240x128xf32, #tpu.memory_space<vmem_shared>>)
      %sub3A_787 = arith.constant 2 : i32
      %sub3A_788 = arith.subi %add3A_771, %sub3A_787 : i32
      %dma_wait3A_789 = arith.constant 1 : i32
      %dma_wait3A_790 = arith.constant 0 : i32
      %dma_wait3A_791 = arith.constant 0 : i32
      %dma_wait3A_792 = tpu.memref_slice %arg6[%dma_wait3A_789, %dma_wait3A_790, %dma_wait3A_791] : memref<4x2x40xi32, #tpu.memory_space<vmem>> -> memref<1x1x40xi32, #tpu.memory_space<vmem>>
      %dma_wait3A_793 = tpu.memref_squeeze %dma_wait3A_792 : memref<1x1x40xi32, #tpu.memory_space<vmem>> -> memref<40xi32, #tpu.memory_space<vmem>>
      %dma_wait3A_794 = arith.constant 0 : i32
      %dma_wait3A_795 = tpu.memref_slice %arg11[%dma_wait3A_794] : memref<10240xf32, #tpu.memory_space<vmem_shared>> -> memref<10240xf32, #tpu.memory_space<vmem_shared>>
      tpu.wait_indirect_dma semaphore(%arg25 : memref<!tpu.dma_semaphore, #tpu.memory_space<semaphore_mem>>) src(%arg8 : memref<40xf32, #tpu.memory_space<vmem>>) dst(%dma_wait3A_795 : memref<10240xf32, #tpu.memory_space<vmem_shared>>)
      %add3A_796 = arith.constant 2 : i32
      %add3A_797 = arith.addi %add3A_771, %add3A_796 : i32
      %dma_start3A_798 = arith.constant 1 : i32
      %dma_start3A_799 = arith.constant 0 : i32
      %dma_start3A_800 = arith.constant 0 : i32
      %dma_start3A_801 = tpu.memref_slice %arg6[%dma_start3A_798, %dma_start3A_799, %dma_start3A_800] : memref<4x2x40xi32, #tpu.memory_space<vmem>> -> memref<1x2x40xi32, #tpu.memory_space<vmem>>
      %dma_start3A_802 = tpu.memref_squeeze %dma_start3A_801 : memref<1x2x40xi32, #tpu.memory_space<vmem>> -> memref<2x40xi32, #tpu.memory_space<vmem>>
      %dma_start3A_803 = arith.constant 0 : i32
      %dma_start3A_804 = arith.constant 0 : i32
      %dma_start3A_805 = tpu.memref_slice %arg3[%arg0, %arg1, %add3A_797, %dma_start3A_803, %dma_start3A_804] : memref<2x16x250x2x40xi32, #tpu.memory_space<hbm>> -> memref<1x1x1x2x40xi32, #tpu.memory_space<hbm>>
      %dma_start3A_806 = tpu.memref_squeeze %dma_start3A_805 : memref<1x1x1x2x40xi32, #tpu.memory_space<hbm>> -> memref<2x40xi32, #tpu.memory_space<hbm>>
      %dma_start3A_807 = arith.constant 0 : i32
      %dma_start3A_808 = arith.constant 0 : i32
      %dma_start3A_809 = tpu.memref_slice %arg6[%dma_start3A_798, %dma_start3A_807, %dma_start3A_808] : memref<4x2x40xi32, #tpu.memory_space<vmem>> -> memref<1x2x40xi32, #tpu.memory_space<vmem>>
      %dma_start3A_810 = tpu.memref_squeeze %dma_start3A_809 : memref<1x2x40xi32, #tpu.memory_space<vmem>> -> memref<2x40xi32, #tpu.memory_space<vmem>>
      %dma_start3A_811 = arith.constant 0 : i32
      %dma_start3A_812 = arith.constant 0 : i32
      %dma_start3A_813 = tpu.memref_slice %arg3[%arg0, %arg1, %add3A_797, %dma_start3A_811, %dma_start3A_812] : memref<2x16x250x2x40xi32, #tpu.memory_space<hbm>> -> memref<1x1x1x2x40xi32, #tpu.memory_space<hbm>>
      %dma_start3A_814 = tpu.memref_squeeze %dma_start3A_813 : memref<1x1x1x2x40xi32, #tpu.memory_space<hbm>> -> memref<2x40xi32, #tpu.memory_space<hbm>>
      tpu.enqueue_dma source(%dma_start3A_814 : memref<2x40xi32, #tpu.memory_space<hbm>>) target(%dma_start3A_810 : memref<2x40xi32, #tpu.memory_space<vmem>>) target_semaphore(%arg13 : memref<!tpu.dma_semaphore, #tpu.memory_space<semaphore_mem>>)
      %add3A_815 = arith.constant 1 : i32
      %add3A_816 = arith.addi %add3A_771, %add3A_815 : i32
      %dma_wait3A_817 = arith.constant 0 : i32
      %dma_wait3A_818 = arith.constant 0 : i32
      %dma_wait3A_819 = arith.constant 0 : i32
      %dma_wait3A_820 = tpu.memref_slice %arg6[%dma_wait3A_817, %dma_wait3A_818, %dma_wait3A_819] : memref<4x2x40xi32, #tpu.memory_space<vmem>> -> memref<1x2x40xi32, #tpu.memory_space<vmem>>
      %dma_wait3A_821 = tpu.memref_squeeze %dma_wait3A_820 : memref<1x2x40xi32, #tpu.memory_space<vmem>> -> memref<2x40xi32, #tpu.memory_space<vmem>>
      %dma_wait3A_822 = arith.constant 0 : i32
      %dma_wait3A_823 = arith.constant 0 : i32
      %dma_wait3A_824 = tpu.memref_slice %arg3[%arg0, %arg1, %add3A_816, %dma_wait3A_822, %dma_wait3A_823] : memref<2x16x250x2x40xi32, #tpu.memory_space<hbm>> -> memref<1x1x1x2x40xi32, #tpu.memory_space<hbm>>
      %dma_wait3A_825 = tpu.memref_squeeze %dma_wait3A_824 : memref<1x1x1x2x40xi32, #tpu.memory_space<hbm>> -> memref<2x40xi32, #tpu.memory_space<hbm>>
      %dma_wait3A_826 = arith.constant 0 : i32
      %dma_wait3A_827 = arith.constant 0 : i32
      %dma_wait3A_828 = tpu.memref_slice %arg6[%dma_wait3A_817, %dma_wait3A_826, %dma_wait3A_827] : memref<4x2x40xi32, #tpu.memory_space<vmem>> -> memref<1x2x40xi32, #tpu.memory_space<vmem>>
      %dma_wait3A_829 = tpu.memref_squeeze %dma_wait3A_828 : memref<1x2x40xi32, #tpu.memory_space<vmem>> -> memref<2x40xi32, #tpu.memory_space<vmem>>
      %dma_wait3A_830 = arith.constant 0 : i32
      %dma_wait3A_831 = arith.constant 0 : i32
      %dma_wait3A_832 = tpu.memref_slice %arg3[%arg0, %arg1, %add3A_816, %dma_wait3A_830, %dma_wait3A_831] : memref<2x16x250x2x40xi32, #tpu.memory_space<hbm>> -> memref<1x1x1x2x40xi32, #tpu.memory_space<hbm>>
      %dma_wait3A_833 = tpu.memref_squeeze %dma_wait3A_832 : memref<1x1x1x2x40xi32, #tpu.memory_space<hbm>> -> memref<2x40xi32, #tpu.memory_space<hbm>>
      tpu.wait_dma2 semaphore(%arg12 : memref<!tpu.dma_semaphore, #tpu.memory_space<semaphore_mem>>) src(%dma_wait3A_833 : memref<2x40xi32, #tpu.memory_space<hbm>>) dst(%dma_wait3A_829 : memref<2x40xi32, #tpu.memory_space<vmem>>)
      %add3A_834 = arith.constant 1 : i32
      %add3A_835 = arith.addi %add3A_771, %add3A_834 : i32
      %dma_start3A_836 = arith.constant 0 : i32
      %dma_start3A_837 = arith.constant 1 : i32
      %dma_start3A_838 = arith.constant 0 : i32
      %dma_start3A_839 = arith.constant 0 : i32
      %dma_start3A_840 = arith.constant 0 : i32
      %dma_start3A_841 = tpu.memref_slice %arg7[%dma_start3A_838, %dma_start3A_839, %dma_start3A_840] : memref<4x40x128xf32, #tpu.memory_space<vmem>> -> memref<1x40x128xf32, #tpu.memory_space<vmem>>
      %dma_start3A_842 = tpu.memref_squeeze %dma_start3A_841 : memref<1x40x128xf32, #tpu.memory_space<vmem>> -> memref<40x128xf32, #tpu.memory_space<vmem>>
      %dma_start3A_843 = arith.constant 0 : i32
      %dma_start3A_844 = tpu.memref_slice %arg6[%dma_start3A_836, %dma_start3A_837, %dma_start3A_843] : memref<4x2x40xi32, #tpu.memory_space<vmem>> -> memref<1x1x40xi32, #tpu.memory_space<vmem>>
      %dma_start3A_845 = tpu.memref_squeeze %dma_start3A_844 : memref<1x1x40xi32, #tpu.memory_space<vmem>> -> memref<40xi32, #tpu.memory_space<vmem>>
      %dma_start3A_846 = arith.constant 0 : i32
      %dma_start3A_847 = arith.constant 0 : i32
      %dma_start3A_848 = tpu.memref_slice %arg2[%dma_start3A_846, %dma_start3A_847] : memref<10000x128xf32, #tpu.memory_space<hbm>> -> memref<10000x128xf32, #tpu.memory_space<hbm>>
      tpu.enqueue_indirect_dma source(%dma_start3A_848 : memref<10000x128xf32, #tpu.memory_space<hbm>>) target(%dma_start3A_842 : memref<40x128xf32, #tpu.memory_space<vmem>>) offsets(%dma_start3A_845 : memref<40xi32, #tpu.memory_space<vmem>>) semaphore(%arg16 : memref<!tpu.dma_semaphore, #tpu.memory_space<semaphore_mem>>)
      %dma_wait3A_849 = arith.constant 3 : i32
      %dma_wait3A_850 = arith.constant 1 : i32
      %dma_wait3A_851 = arith.constant 3 : i32
      %dma_wait3A_852 = arith.constant 0 : i32
      %dma_wait3A_853 = arith.constant 0 : i32
      %dma_wait3A_854 = tpu.memref_slice %arg7[%dma_wait3A_851, %dma_wait3A_852, %dma_wait3A_853] : memref<4x40x128xf32, #tpu.memory_space<vmem>> -> memref<1x40x128xf32, #tpu.memory_space<vmem>>
      %dma_wait3A_855 = tpu.memref_squeeze %dma_wait3A_854 : memref<1x40x128xf32, #tpu.memory_space<vmem>> -> memref<40x128xf32, #tpu.memory_space<vmem>>
      %dma_wait3A_856 = arith.constant 0 : i32
      %dma_wait3A_857 = tpu.memref_slice %arg6[%dma_wait3A_849, %dma_wait3A_850, %dma_wait3A_856] : memref<4x2x40xi32, #tpu.memory_space<vmem>> -> memref<1x1x40xi32, #tpu.memory_space<vmem>>
      %dma_wait3A_858 = tpu.memref_squeeze %dma_wait3A_857 : memref<1x1x40xi32, #tpu.memory_space<vmem>> -> memref<40xi32, #tpu.memory_space<vmem>>
      %dma_wait3A_859 = arith.constant 0 : i32
      %dma_wait3A_860 = arith.constant 0 : i32
      %dma_wait3A_861 = tpu.memref_slice %arg2[%dma_wait3A_859, %dma_wait3A_860] : memref<10000x128xf32, #tpu.memory_space<hbm>> -> memref<10000x128xf32, #tpu.memory_space<hbm>>
      tpu.wait_indirect_dma semaphore(%arg19 : memref<!tpu.dma_semaphore, #tpu.memory_space<semaphore_mem>>) src(%dma_wait3A_861 : memref<10000x128xf32, #tpu.memory_space<hbm>>) dst(%dma_wait3A_855 : memref<40x128xf32, #tpu.memory_space<vmem>>)
      %dma_start3A_862 = arith.constant 3 : i32
      %dma_start3A_863 = arith.constant 3 : i32
      %dma_start3A_864 = arith.constant 0 : i32
      %dma_start3A_865 = arith.constant 0 : i32
      %dma_start3A_866 = arith.constant 0 : i32
      %dma_start3A_867 = tpu.memref_slice %arg7[%dma_start3A_862, %dma_start3A_865, %dma_start3A_866] : memref<4x40x128xf32, #tpu.memory_space<vmem>> -> memref<1x40x128xf32, #tpu.memory_space<vmem>>
      %dma_start3A_868 = tpu.memref_squeeze %dma_start3A_867 : memref<1x40x128xf32, #tpu.memory_space<vmem>> -> memref<40x128xf32, #tpu.memory_space<vmem>>
      %dma_start3A_869 = arith.constant 0 : i32
      %dma_start3A_870 = tpu.memref_slice %arg6[%dma_start3A_863, %dma_start3A_864, %dma_start3A_869] : memref<4x2x40xi32, #tpu.memory_space<vmem>> -> memref<1x1x40xi32, #tpu.memory_space<vmem>>
      %dma_start3A_871 = tpu.memref_squeeze %dma_start3A_870 : memref<1x1x40xi32, #tpu.memory_space<vmem>> -> memref<40xi32, #tpu.memory_space<vmem>>
      %dma_start3A_872 = arith.constant 0 : i32
      %dma_start3A_873 = arith.constant 0 : i32
      %dma_start3A_874 = tpu.memref_slice %arg10[%dma_start3A_872, %dma_start3A_873] : memref<10240x128xf32, #tpu.memory_space<vmem_shared>> -> memref<10240x128xf32, #tpu.memory_space<vmem_shared>>
      tpu.enqueue_indirect_dma source(%dma_start3A_868 : memref<40x128xf32, #tpu.memory_space<vmem>>) target(%dma_start3A_874 : memref<10240x128xf32, #tpu.memory_space<vmem_shared>>) offsets(%dma_start3A_871 : memref<40xi32, #tpu.memory_space<vmem>>) semaphore(%arg23 : memref<!tpu.dma_semaphore, #tpu.memory_space<semaphore_mem>>) {add = true}
      %dma_start3A_875 = arith.constant 3 : i32
      %dma_start3A_876 = arith.constant 0 : i32
      %dma_start3A_877 = arith.constant 0 : i32
      %dma_start3A_878 = tpu.memref_slice %arg6[%dma_start3A_875, %dma_start3A_876, %dma_start3A_877] : memref<4x2x40xi32, #tpu.memory_space<vmem>> -> memref<1x1x40xi32, #tpu.memory_space<vmem>>
      %dma_start3A_879 = tpu.memref_squeeze %dma_start3A_878 : memref<1x1x40xi32, #tpu.memory_space<vmem>> -> memref<40xi32, #tpu.memory_space<vmem>>
      %dma_start3A_880 = arith.constant 0 : i32
      %dma_start3A_881 = tpu.memref_slice %arg11[%dma_start3A_880] : memref<10240xf32, #tpu.memory_space<vmem_shared>> -> memref<10240xf32, #tpu.memory_space<vmem_shared>>
      tpu.enqueue_indirect_dma source(%arg8 : memref<40xf32, #tpu.memory_space<vmem>>) target(%dma_start3A_881 : memref<10240xf32, #tpu.memory_space<vmem_shared>>) offsets(%dma_start3A_879 : memref<40xi32, #tpu.memory_space<vmem>>) semaphore(%arg27 : memref<!tpu.dma_semaphore, #tpu.memory_space<semaphore_mem>>) {add = true}
      %add3A_882 = arith.constant 2 : i32
      %add3A_883 = arith.addi %add3A_658, %add3A_882 : i32
      %sub3A_884 = arith.constant 2 : i32
      %sub3A_885 = arith.subi %add3A_883, %sub3A_884 : i32
      %dma_wait3A_886 = arith.constant 2 : i32
      %dma_wait3A_887 = arith.constant 2 : i32
      %dma_wait3A_888 = arith.constant 0 : i32
      %dma_wait3A_889 = arith.constant 0 : i32
      %dma_wait3A_890 = arith.constant 0 : i32
      %dma_wait3A_891 = tpu.memref_slice %arg7[%dma_wait3A_886, %dma_wait3A_889, %dma_wait3A_890] : memref<4x40x128xf32, #tpu.memory_space<vmem>> -> memref<1x40x128xf32, #tpu.memory_space<vmem>>
      %dma_wait3A_892 = tpu.memref_squeeze %dma_wait3A_891 : memref<1x40x128xf32, #tpu.memory_space<vmem>> -> memref<40x128xf32, #tpu.memory_space<vmem>>
      %dma_wait3A_893 = arith.constant 0 : i32
      %dma_wait3A_894 = tpu.memref_slice %arg6[%dma_wait3A_887, %dma_wait3A_888, %dma_wait3A_893] : memref<4x2x40xi32, #tpu.memory_space<vmem>> -> memref<1x1x40xi32, #tpu.memory_space<vmem>>
      %dma_wait3A_895 = tpu.memref_squeeze %dma_wait3A_894 : memref<1x1x40xi32, #tpu.memory_space<vmem>> -> memref<40xi32, #tpu.memory_space<vmem>>
      %dma_wait3A_896 = arith.constant 0 : i32
      %dma_wait3A_897 = arith.constant 0 : i32
      %dma_wait3A_898 = tpu.memref_slice %arg10[%dma_wait3A_896, %dma_wait3A_897] : memref<10240x128xf32, #tpu.memory_space<vmem_shared>> -> memref<10240x128xf32, #tpu.memory_space<vmem_shared>>
      tpu.wait_indirect_dma semaphore(%arg22 : memref<!tpu.dma_semaphore, #tpu.memory_space<semaphore_mem>>) src(%dma_wait3A_892 : memref<40x128xf32, #tpu.memory_space<vmem>>) dst(%dma_wait3A_898 : memref<10240x128xf32, #tpu.memory_space<vmem_shared>>)
      %sub3A_899 = arith.constant 2 : i32
      %sub3A_900 = arith.subi %add3A_883, %sub3A_899 : i32
      %dma_wait3A_901 = arith.constant 2 : i32
      %dma_wait3A_902 = arith.constant 0 : i32
      %dma_wait3A_903 = arith.constant 0 : i32
      %dma_wait3A_904 = tpu.memref_slice %arg6[%dma_wait3A_901, %dma_wait3A_902, %dma_wait3A_903] : memref<4x2x40xi32, #tpu.memory_space<vmem>> -> memref<1x1x40xi32, #tpu.memory_space<vmem>>
      %dma_wait3A_905 = tpu.memref_squeeze %dma_wait3A_904 : memref<1x1x40xi32, #tpu.memory_space<vmem>> -> memref<40xi32, #tpu.memory_space<vmem>>
      %dma_wait3A_906 = arith.constant 0 : i32
      %dma_wait3A_907 = tpu.memref_slice %arg11[%dma_wait3A_906] : memref<10240xf32, #tpu.memory_space<vmem_shared>> -> memref<10240xf32, #tpu.memory_space<vmem_shared>>
      tpu.wait_indirect_dma semaphore(%arg26 : memref<!tpu.dma_semaphore, #tpu.memory_space<semaphore_mem>>) src(%arg8 : memref<40xf32, #tpu.memory_space<vmem>>) dst(%dma_wait3A_907 : memref<10240xf32, #tpu.memory_space<vmem_shared>>)
      %add3A_908 = arith.constant 2 : i32
      %add3A_909 = arith.addi %add3A_883, %add3A_908 : i32
      %dma_start3A_910 = arith.constant 2 : i32
      %dma_start3A_911 = arith.constant 0 : i32
      %dma_start3A_912 = arith.constant 0 : i32
      %dma_start3A_913 = tpu.memref_slice %arg6[%dma_start3A_910, %dma_start3A_911, %dma_start3A_912] : memref<4x2x40xi32, #tpu.memory_space<vmem>> -> memref<1x2x40xi32, #tpu.memory_space<vmem>>
      %dma_start3A_914 = tpu.memref_squeeze %dma_start3A_913 : memref<1x2x40xi32, #tpu.memory_space<vmem>> -> memref<2x40xi32, #tpu.memory_space<vmem>>
      %dma_start3A_915 = arith.constant 0 : i32
      %dma_start3A_916 = arith.constant 0 : i32
      %dma_start3A_917 = tpu.memref_slice %arg3[%arg0, %arg1, %add3A_909, %dma_start3A_915, %dma_start3A_916] : memref<2x16x250x2x40xi32, #tpu.memory_space<hbm>> -> memref<1x1x1x2x40xi32, #tpu.memory_space<hbm>>
      %dma_start3A_918 = tpu.memref_squeeze %dma_start3A_917 : memref<1x1x1x2x40xi32, #tpu.memory_space<hbm>> -> memref<2x40xi32, #tpu.memory_space<hbm>>
      %dma_start3A_919 = arith.constant 0 : i32
      %dma_start3A_920 = arith.constant 0 : i32
      %dma_start3A_921 = tpu.memref_slice %arg6[%dma_start3A_910, %dma_start3A_919, %dma_start3A_920] : memref<4x2x40xi32, #tpu.memory_space<vmem>> -> memref<1x2x40xi32, #tpu.memory_space<vmem>>
      %dma_start3A_922 = tpu.memref_squeeze %dma_start3A_921 : memref<1x2x40xi32, #tpu.memory_space<vmem>> -> memref<2x40xi32, #tpu.memory_space<vmem>>
      %dma_start3A_923 = arith.constant 0 : i32
      %dma_start3A_924 = arith.constant 0 : i32
      %dma_start3A_925 = tpu.memref_slice %arg3[%arg0, %arg1, %add3A_909, %dma_start3A_923, %dma_start3A_924] : memref<2x16x250x2x40xi32, #tpu.memory_space<hbm>> -> memref<1x1x1x2x40xi32, #tpu.memory_space<hbm>>
      %dma_start3A_926 = tpu.memref_squeeze %dma_start3A_925 : memref<1x1x1x2x40xi32, #tpu.memory_space<hbm>> -> memref<2x40xi32, #tpu.memory_space<hbm>>
      tpu.enqueue_dma source(%dma_start3A_926 : memref<2x40xi32, #tpu.memory_space<hbm>>) target(%dma_start3A_922 : memref<2x40xi32, #tpu.memory_space<vmem>>) target_semaphore(%arg14 : memref<!tpu.dma_semaphore, #tpu.memory_space<semaphore_mem>>)
      %add3A_927 = arith.constant 1 : i32
      %add3A_928 = arith.addi %add3A_883, %add3A_927 : i32
      %dma_wait3A_929 = arith.constant 1 : i32
      %dma_wait3A_930 = arith.constant 0 : i32
      %dma_wait3A_931 = arith.constant 0 : i32
      %dma_wait3A_932 = tpu.memref_slice %arg6[%dma_wait3A_929, %dma_wait3A_930, %dma_wait3A_931] : memref<4x2x40xi32, #tpu.memory_space<vmem>> -> memref<1x2x40xi32, #tpu.memory_space<vmem>>
      %dma_wait3A_933 = tpu.memref_squeeze %dma_wait3A_932 : memref<1x2x40xi32, #tpu.memory_space<vmem>> -> memref<2x40xi32, #tpu.memory_space<vmem>>
      %dma_wait3A_934 = arith.constant 0 : i32
      %dma_wait3A_935 = arith.constant 0 : i32
      %dma_wait3A_936 = tpu.memref_slice %arg3[%arg0, %arg1, %add3A_928, %dma_wait3A_934, %dma_wait3A_935] : memref<2x16x250x2x40xi32, #tpu.memory_space<hbm>> -> memref<1x1x1x2x40xi32, #tpu.memory_space<hbm>>
      %dma_wait3A_937 = tpu.memref_squeeze %dma_wait3A_936 : memref<1x1x1x2x40xi32, #tpu.memory_space<hbm>> -> memref<2x40xi32, #tpu.memory_space<hbm>>
      %dma_wait3A_938 = arith.constant 0 : i32
      %dma_wait3A_939 = arith.constant 0 : i32
      %dma_wait3A_940 = tpu.memref_slice %arg6[%dma_wait3A_929, %dma_wait3A_938, %dma_wait3A_939] : memref<4x2x40xi32, #tpu.memory_space<vmem>> -> memref<1x2x40xi32, #tpu.memory_space<vmem>>
      %dma_wait3A_941 = tpu.memref_squeeze %dma_wait3A_940 : memref<1x2x40xi32, #tpu.memory_space<vmem>> -> memref<2x40xi32, #tpu.memory_space<vmem>>
      %dma_wait3A_942 = arith.constant 0 : i32
      %dma_wait3A_943 = arith.constant 0 : i32
      %dma_wait3A_944 = tpu.memref_slice %arg3[%arg0, %arg1, %add3A_928, %dma_wait3A_942, %dma_wait3A_943] : memref<2x16x250x2x40xi32, #tpu.memory_space<hbm>> -> memref<1x1x1x2x40xi32, #tpu.memory_space<hbm>>
      %dma_wait3A_945 = tpu.memref_squeeze %dma_wait3A_944 : memref<1x1x1x2x40xi32, #tpu.memory_space<hbm>> -> memref<2x40xi32, #tpu.memory_space<hbm>>
      tpu.wait_dma2 semaphore(%arg13 : memref<!tpu.dma_semaphore, #tpu.memory_space<semaphore_mem>>) src(%dma_wait3A_945 : memref<2x40xi32, #tpu.memory_space<hbm>>) dst(%dma_wait3A_941 : memref<2x40xi32, #tpu.memory_space<vmem>>)
      %add3A_946 = arith.constant 1 : i32
      %add3A_947 = arith.addi %add3A_883, %add3A_946 : i32
      %dma_start3A_948 = arith.constant 1 : i32
      %dma_start3A_949 = arith.constant 1 : i32
      %dma_start3A_950 = arith.constant 1 : i32
      %dma_start3A_951 = arith.constant 0 : i32
      %dma_start3A_952 = arith.constant 0 : i32
      %dma_start3A_953 = tpu.memref_slice %arg7[%dma_start3A_950, %dma_start3A_951, %dma_start3A_952] : memref<4x40x128xf32, #tpu.memory_space<vmem>> -> memref<1x40x128xf32, #tpu.memory_space<vmem>>
      %dma_start3A_954 = tpu.memref_squeeze %dma_start3A_953 : memref<1x40x128xf32, #tpu.memory_space<vmem>> -> memref<40x128xf32, #tpu.memory_space<vmem>>
      %dma_start3A_955 = arith.constant 0 : i32
      %dma_start3A_956 = tpu.memref_slice %arg6[%dma_start3A_948, %dma_start3A_949, %dma_start3A_955] : memref<4x2x40xi32, #tpu.memory_space<vmem>> -> memref<1x1x40xi32, #tpu.memory_space<vmem>>
      %dma_start3A_957 = tpu.memref_squeeze %dma_start3A_956 : memref<1x1x40xi32, #tpu.memory_space<vmem>> -> memref<40xi32, #tpu.memory_space<vmem>>
      %dma_start3A_958 = arith.constant 0 : i32
      %dma_start3A_959 = arith.constant 0 : i32
      %dma_start3A_960 = tpu.memref_slice %arg2[%dma_start3A_958, %dma_start3A_959] : memref<10000x128xf32, #tpu.memory_space<hbm>> -> memref<10000x128xf32, #tpu.memory_space<hbm>>
      tpu.enqueue_indirect_dma source(%dma_start3A_960 : memref<10000x128xf32, #tpu.memory_space<hbm>>) target(%dma_start3A_954 : memref<40x128xf32, #tpu.memory_space<vmem>>) offsets(%dma_start3A_957 : memref<40xi32, #tpu.memory_space<vmem>>) semaphore(%arg17 : memref<!tpu.dma_semaphore, #tpu.memory_space<semaphore_mem>>)
      %dma_wait3A_961 = arith.constant 0 : i32
      %dma_wait3A_962 = arith.constant 1 : i32
      %dma_wait3A_963 = arith.constant 0 : i32
      %dma_wait3A_964 = arith.constant 0 : i32
      %dma_wait3A_965 = arith.constant 0 : i32
      %dma_wait3A_966 = tpu.memref_slice %arg7[%dma_wait3A_963, %dma_wait3A_964, %dma_wait3A_965] : memref<4x40x128xf32, #tpu.memory_space<vmem>> -> memref<1x40x128xf32, #tpu.memory_space<vmem>>
      %dma_wait3A_967 = tpu.memref_squeeze %dma_wait3A_966 : memref<1x40x128xf32, #tpu.memory_space<vmem>> -> memref<40x128xf32, #tpu.memory_space<vmem>>
      %dma_wait3A_968 = arith.constant 0 : i32
      %dma_wait3A_969 = tpu.memref_slice %arg6[%dma_wait3A_961, %dma_wait3A_962, %dma_wait3A_968] : memref<4x2x40xi32, #tpu.memory_space<vmem>> -> memref<1x1x40xi32, #tpu.memory_space<vmem>>
      %dma_wait3A_970 = tpu.memref_squeeze %dma_wait3A_969 : memref<1x1x40xi32, #tpu.memory_space<vmem>> -> memref<40xi32, #tpu.memory_space<vmem>>
      %dma_wait3A_971 = arith.constant 0 : i32
      %dma_wait3A_972 = arith.constant 0 : i32
      %dma_wait3A_973 = tpu.memref_slice %arg2[%dma_wait3A_971, %dma_wait3A_972] : memref<10000x128xf32, #tpu.memory_space<hbm>> -> memref<10000x128xf32, #tpu.memory_space<hbm>>
      tpu.wait_indirect_dma semaphore(%arg16 : memref<!tpu.dma_semaphore, #tpu.memory_space<semaphore_mem>>) src(%dma_wait3A_973 : memref<10000x128xf32, #tpu.memory_space<hbm>>) dst(%dma_wait3A_967 : memref<40x128xf32, #tpu.memory_space<vmem>>)
      %dma_start3A_974 = arith.constant 0 : i32
      %dma_start3A_975 = arith.constant 0 : i32
      %dma_start3A_976 = arith.constant 0 : i32
      %dma_start3A_977 = arith.constant 0 : i32
      %dma_start3A_978 = arith.constant 0 : i32
      %dma_start3A_979 = tpu.memref_slice %arg7[%dma_start3A_974, %dma_start3A_977, %dma_start3A_978] : memref<4x40x128xf32, #tpu.memory_space<vmem>> -> memref<1x40x128xf32, #tpu.memory_space<vmem>>
      %dma_start3A_980 = tpu.memref_squeeze %dma_start3A_979 : memref<1x40x128xf32, #tpu.memory_space<vmem>> -> memref<40x128xf32, #tpu.memory_space<vmem>>
      %dma_start3A_981 = arith.constant 0 : i32
      %dma_start3A_982 = tpu.memref_slice %arg6[%dma_start3A_975, %dma_start3A_976, %dma_start3A_981] : memref<4x2x40xi32, #tpu.memory_space<vmem>> -> memref<1x1x40xi32, #tpu.memory_space<vmem>>
      %dma_start3A_983 = tpu.memref_squeeze %dma_start3A_982 : memref<1x1x40xi32, #tpu.memory_space<vmem>> -> memref<40xi32, #tpu.memory_space<vmem>>
      %dma_start3A_984 = arith.constant 0 : i32
      %dma_start3A_985 = arith.constant 0 : i32
      %dma_start3A_986 = tpu.memref_slice %arg10[%dma_start3A_984, %dma_start3A_985] : memref<10240x128xf32, #tpu.memory_space<vmem_shared>> -> memref<10240x128xf32, #tpu.memory_space<vmem_shared>>
      tpu.enqueue_indirect_dma source(%dma_start3A_980 : memref<40x128xf32, #tpu.memory_space<vmem>>) target(%dma_start3A_986 : memref<10240x128xf32, #tpu.memory_space<vmem_shared>>) offsets(%dma_start3A_983 : memref<40xi32, #tpu.memory_space<vmem>>) semaphore(%arg20 : memref<!tpu.dma_semaphore, #tpu.memory_space<semaphore_mem>>) {add = true}
      %dma_start3A_987 = arith.constant 0 : i32
      %dma_start3A_988 = arith.constant 0 : i32
      %dma_start3A_989 = arith.constant 0 : i32
      %dma_start3A_990 = tpu.memref_slice %arg6[%dma_start3A_987, %dma_start3A_988, %dma_start3A_989] : memref<4x2x40xi32, #tpu.memory_space<vmem>> -> memref<1x1x40xi32, #tpu.memory_space<vmem>>
      %dma_start3A_991 = tpu.memref_squeeze %dma_start3A_990 : memref<1x1x40xi32, #tpu.memory_space<vmem>> -> memref<40xi32, #tpu.memory_space<vmem>>
      %dma_start3A_992 = arith.constant 0 : i32
      %dma_start3A_993 = tpu.memref_slice %arg11[%dma_start3A_992] : memref<10240xf32, #tpu.memory_space<vmem_shared>> -> memref<10240xf32, #tpu.memory_space<vmem_shared>>
      tpu.enqueue_indirect_dma source(%arg8 : memref<40xf32, #tpu.memory_space<vmem>>) target(%dma_start3A_993 : memref<10240xf32, #tpu.memory_space<vmem_shared>>) offsets(%dma_start3A_991 : memref<40xi32, #tpu.memory_space<vmem>>) semaphore(%arg24 : memref<!tpu.dma_semaphore, #tpu.memory_space<semaphore_mem>>) {add = true}
      %add3A_994 = arith.constant 3 : i32
      %add3A_995 = arith.addi %add3A_658, %add3A_994 : i32
      %sub3A_996 = arith.constant 2 : i32
      %sub3A_997 = arith.subi %add3A_995, %sub3A_996 : i32
      %dma_wait3A_998 = arith.constant 3 : i32
      %dma_wait3A_999 = arith.constant 3 : i32
      %dma_wait3A_1000 = arith.constant 0 : i32
      %dma_wait3A_1001 = arith.constant 0 : i32
      %dma_wait3A_1002 = arith.constant 0 : i32
      %dma_wait3A_1003 = tpu.memref_slice %arg7[%dma_wait3A_998, %dma_wait3A_1001, %dma_wait3A_1002] : memref<4x40x128xf32, #tpu.memory_space<vmem>> -> memref<1x40x128xf32, #tpu.memory_space<vmem>>
      %dma_wait3A_1004 = tpu.memref_squeeze %dma_wait3A_1003 : memref<1x40x128xf32, #tpu.memory_space<vmem>> -> memref<40x128xf32, #tpu.memory_space<vmem>>
      %dma_wait3A_1005 = arith.constant 0 : i32
      %dma_wait3A_1006 = tpu.memref_slice %arg6[%dma_wait3A_999, %dma_wait3A_1000, %dma_wait3A_1005] : memref<4x2x40xi32, #tpu.memory_space<vmem>> -> memref<1x1x40xi32, #tpu.memory_space<vmem>>
      %dma_wait3A_1007 = tpu.memref_squeeze %dma_wait3A_1006 : memref<1x1x40xi32, #tpu.memory_space<vmem>> -> memref<40xi32, #tpu.memory_space<vmem>>
      %dma_wait3A_1008 = arith.constant 0 : i32
      %dma_wait3A_1009 = arith.constant 0 : i32
      %dma_wait3A_1010 = tpu.memref_slice %arg10[%dma_wait3A_1008, %dma_wait3A_1009] : memref<10240x128xf32, #tpu.memory_space<vmem_shared>> -> memref<10240x128xf32, #tpu.memory_space<vmem_shared>>
      tpu.wait_indirect_dma semaphore(%arg23 : memref<!tpu.dma_semaphore, #tpu.memory_space<semaphore_mem>>) src(%dma_wait3A_1004 : memref<40x128xf32, #tpu.memory_space<vmem>>) dst(%dma_wait3A_1010 : memref<10240x128xf32, #tpu.memory_space<vmem_shared>>)
      %sub3A_1011 = arith.constant 2 : i32
      %sub3A_1012 = arith.subi %add3A_995, %sub3A_1011 : i32
      %dma_wait3A_1013 = arith.constant 3 : i32
      %dma_wait3A_1014 = arith.constant 0 : i32
      %dma_wait3A_1015 = arith.constant 0 : i32
      %dma_wait3A_1016 = tpu.memref_slice %arg6[%dma_wait3A_1013, %dma_wait3A_1014, %dma_wait3A_1015] : memref<4x2x40xi32, #tpu.memory_space<vmem>> -> memref<1x1x40xi32, #tpu.memory_space<vmem>>
      %dma_wait3A_1017 = tpu.memref_squeeze %dma_wait3A_1016 : memref<1x1x40xi32, #tpu.memory_space<vmem>> -> memref<40xi32, #tpu.memory_space<vmem>>
      %dma_wait3A_1018 = arith.constant 0 : i32
      %dma_wait3A_1019 = tpu.memref_slice %arg11[%dma_wait3A_1018] : memref<10240xf32, #tpu.memory_space<vmem_shared>> -> memref<10240xf32, #tpu.memory_space<vmem_shared>>
      tpu.wait_indirect_dma semaphore(%arg27 : memref<!tpu.dma_semaphore, #tpu.memory_space<semaphore_mem>>) src(%arg8 : memref<40xf32, #tpu.memory_space<vmem>>) dst(%dma_wait3A_1019 : memref<10240xf32, #tpu.memory_space<vmem_shared>>)
      %add3A_1020 = arith.constant 2 : i32
      %add3A_1021 = arith.addi %add3A_995, %add3A_1020 : i32
      %dma_start3A_1022 = arith.constant 3 : i32
      %dma_start3A_1023 = arith.constant 0 : i32
      %dma_start3A_1024 = arith.constant 0 : i32
      %dma_start3A_1025 = tpu.memref_slice %arg6[%dma_start3A_1022, %dma_start3A_1023, %dma_start3A_1024] : memref<4x2x40xi32, #tpu.memory_space<vmem>> -> memref<1x2x40xi32, #tpu.memory_space<vmem>>
      %dma_start3A_1026 = tpu.memref_squeeze %dma_start3A_1025 : memref<1x2x40xi32, #tpu.memory_space<vmem>> -> memref<2x40xi32, #tpu.memory_space<vmem>>
      %dma_start3A_1027 = arith.constant 0 : i32
      %dma_start3A_1028 = arith.constant 0 : i32
      %dma_start3A_1029 = tpu.memref_slice %arg3[%arg0, %arg1, %add3A_1021, %dma_start3A_1027, %dma_start3A_1028] : memref<2x16x250x2x40xi32, #tpu.memory_space<hbm>> -> memref<1x1x1x2x40xi32, #tpu.memory_space<hbm>>
      %dma_start3A_1030 = tpu.memref_squeeze %dma_start3A_1029 : memref<1x1x1x2x40xi32, #tpu.memory_space<hbm>> -> memref<2x40xi32, #tpu.memory_space<hbm>>
      %dma_start3A_1031 = arith.constant 0 : i32
      %dma_start3A_1032 = arith.constant 0 : i32
      %dma_start3A_1033 = tpu.memref_slice %arg6[%dma_start3A_1022, %dma_start3A_1031, %dma_start3A_1032] : memref<4x2x40xi32, #tpu.memory_space<vmem>> -> memref<1x2x40xi32, #tpu.memory_space<vmem>>
      %dma_start3A_1034 = tpu.memref_squeeze %dma_start3A_1033 : memref<1x2x40xi32, #tpu.memory_space<vmem>> -> memref<2x40xi32, #tpu.memory_space<vmem>>
      %dma_start3A_1035 = arith.constant 0 : i32
      %dma_start3A_1036 = arith.constant 0 : i32
      %dma_start3A_1037 = tpu.memref_slice %arg3[%arg0, %arg1, %add3A_1021, %dma_start3A_1035, %dma_start3A_1036] : memref<2x16x250x2x40xi32, #tpu.memory_space<hbm>> -> memref<1x1x1x2x40xi32, #tpu.memory_space<hbm>>
      %dma_start3A_1038 = tpu.memref_squeeze %dma_start3A_1037 : memref<1x1x1x2x40xi32, #tpu.memory_space<hbm>> -> memref<2x40xi32, #tpu.memory_space<hbm>>
      tpu.enqueue_dma source(%dma_start3A_1038 : memref<2x40xi32, #tpu.memory_space<hbm>>) target(%dma_start3A_1034 : memref<2x40xi32, #tpu.memory_space<vmem>>) target_semaphore(%arg15 : memref<!tpu.dma_semaphore, #tpu.memory_space<semaphore_mem>>)
      %add3A_1039 = arith.constant 1 : i32
      %add3A_1040 = arith.addi %add3A_995, %add3A_1039 : i32
      %dma_wait3A_1041 = arith.constant 2 : i32
      %dma_wait3A_1042 = arith.constant 0 : i32
      %dma_wait3A_1043 = arith.constant 0 : i32
      %dma_wait3A_1044 = tpu.memref_slice %arg6[%dma_wait3A_1041, %dma_wait3A_1042, %dma_wait3A_1043] : memref<4x2x40xi32, #tpu.memory_space<vmem>> -> memref<1x2x40xi32, #tpu.memory_space<vmem>>
      %dma_wait3A_1045 = tpu.memref_squeeze %dma_wait3A_1044 : memref<1x2x40xi32, #tpu.memory_space<vmem>> -> memref<2x40xi32, #tpu.memory_space<vmem>>
      %dma_wait3A_1046 = arith.constant 0 : i32
      %dma_wait3A_1047 = arith.constant 0 : i32
      %dma_wait3A_1048 = tpu.memref_slice %arg3[%arg0, %arg1, %add3A_1040, %dma_wait3A_1046, %dma_wait3A_1047] : memref<2x16x250x2x40xi32, #tpu.memory_space<hbm>> -> memref<1x1x1x2x40xi32, #tpu.memory_space<hbm>>
      %dma_wait3A_1049 = tpu.memref_squeeze %dma_wait3A_1048 : memref<1x1x1x2x40xi32, #tpu.memory_space<hbm>> -> memref<2x40xi32, #tpu.memory_space<hbm>>
      %dma_wait3A_1050 = arith.constant 0 : i32
      %dma_wait3A_1051 = arith.constant 0 : i32
      %dma_wait3A_1052 = tpu.memref_slice %arg6[%dma_wait3A_1041, %dma_wait3A_1050, %dma_wait3A_1051] : memref<4x2x40xi32, #tpu.memory_space<vmem>> -> memref<1x2x40xi32, #tpu.memory_space<vmem>>
      %dma_wait3A_1053 = tpu.memref_squeeze %dma_wait3A_1052 : memref<1x2x40xi32, #tpu.memory_space<vmem>> -> memref<2x40xi32, #tpu.memory_space<vmem>>
      %dma_wait3A_1054 = arith.constant 0 : i32
      %dma_wait3A_1055 = arith.constant 0 : i32
      %dma_wait3A_1056 = tpu.memref_slice %arg3[%arg0, %arg1, %add3A_1040, %dma_wait3A_1054, %dma_wait3A_1055] : memref<2x16x250x2x40xi32, #tpu.memory_space<hbm>> -> memref<1x1x1x2x40xi32, #tpu.memory_space<hbm>>
      %dma_wait3A_1057 = tpu.memref_squeeze %dma_wait3A_1056 : memref<1x1x1x2x40xi32, #tpu.memory_space<hbm>> -> memref<2x40xi32, #tpu.memory_space<hbm>>
      tpu.wait_dma2 semaphore(%arg14 : memref<!tpu.dma_semaphore, #tpu.memory_space<semaphore_mem>>) src(%dma_wait3A_1057 : memref<2x40xi32, #tpu.memory_space<hbm>>) dst(%dma_wait3A_1053 : memref<2x40xi32, #tpu.memory_space<vmem>>)
      %add3A_1058 = arith.constant 1 : i32
      %add3A_1059 = arith.addi %add3A_995, %add3A_1058 : i32
      %dma_start3A_1060 = arith.constant 2 : i32
      %dma_start3A_1061 = arith.constant 1 : i32
      %dma_start3A_1062 = arith.constant 2 : i32
      %dma_start3A_1063 = arith.constant 0 : i32
      %dma_start3A_1064 = arith.constant 0 : i32
      %dma_start3A_1065 = tpu.memref_slice %arg7[%dma_start3A_1062, %dma_start3A_1063, %dma_start3A_1064] : memref<4x40x128xf32, #tpu.memory_space<vmem>> -> memref<1x40x128xf32, #tpu.memory_space<vmem>>
      %dma_start3A_1066 = tpu.memref_squeeze %dma_start3A_1065 : memref<1x40x128xf32, #tpu.memory_space<vmem>> -> memref<40x128xf32, #tpu.memory_space<vmem>>
      %dma_start3A_1067 = arith.constant 0 : i32
      %dma_start3A_1068 = tpu.memref_slice %arg6[%dma_start3A_1060, %dma_start3A_1061, %dma_start3A_1067] : memref<4x2x40xi32, #tpu.memory_space<vmem>> -> memref<1x1x40xi32, #tpu.memory_space<vmem>>
      %dma_start3A_1069 = tpu.memref_squeeze %dma_start3A_1068 : memref<1x1x40xi32, #tpu.memory_space<vmem>> -> memref<40xi32, #tpu.memory_space<vmem>>
      %dma_start3A_1070 = arith.constant 0 : i32
      %dma_start3A_1071 = arith.constant 0 : i32
      %dma_start3A_1072 = tpu.memref_slice %arg2[%dma_start3A_1070, %dma_start3A_1071] : memref<10000x128xf32, #tpu.memory_space<hbm>> -> memref<10000x128xf32, #tpu.memory_space<hbm>>
      tpu.enqueue_indirect_dma source(%dma_start3A_1072 : memref<10000x128xf32, #tpu.memory_space<hbm>>) target(%dma_start3A_1066 : memref<40x128xf32, #tpu.memory_space<vmem>>) offsets(%dma_start3A_1069 : memref<40xi32, #tpu.memory_space<vmem>>) semaphore(%arg18 : memref<!tpu.dma_semaphore, #tpu.memory_space<semaphore_mem>>)
      %dma_wait3A_1073 = arith.constant 1 : i32
      %dma_wait3A_1074 = arith.constant 1 : i32
      %dma_wait3A_1075 = arith.constant 1 : i32
      %dma_wait3A_1076 = arith.constant 0 : i32
      %dma_wait3A_1077 = arith.constant 0 : i32
      %dma_wait3A_1078 = tpu.memref_slice %arg7[%dma_wait3A_1075, %dma_wait3A_1076, %dma_wait3A_1077] : memref<4x40x128xf32, #tpu.memory_space<vmem>> -> memref<1x40x128xf32, #tpu.memory_space<vmem>>
      %dma_wait3A_1079 = tpu.memref_squeeze %dma_wait3A_1078 : memref<1x40x128xf32, #tpu.memory_space<vmem>> -> memref<40x128xf32, #tpu.memory_space<vmem>>
      %dma_wait3A_1080 = arith.constant 0 : i32
      %dma_wait3A_1081 = tpu.memref_slice %arg6[%dma_wait3A_1073, %dma_wait3A_1074, %dma_wait3A_1080] : memref<4x2x40xi32, #tpu.memory_space<vmem>> -> memref<1x1x40xi32, #tpu.memory_space<vmem>>
      %dma_wait3A_1082 = tpu.memref_squeeze %dma_wait3A_1081 : memref<1x1x40xi32, #tpu.memory_space<vmem>> -> memref<40xi32, #tpu.memory_space<vmem>>
      %dma_wait3A_1083 = arith.constant 0 : i32
      %dma_wait3A_1084 = arith.constant 0 : i32
      %dma_wait3A_1085 = tpu.memref_slice %arg2[%dma_wait3A_1083, %dma_wait3A_1084] : memref<10000x128xf32, #tpu.memory_space<hbm>> -> memref<10000x128xf32, #tpu.memory_space<hbm>>
      tpu.wait_indirect_dma semaphore(%arg17 : memref<!tpu.dma_semaphore, #tpu.memory_space<semaphore_mem>>) src(%dma_wait3A_1085 : memref<10000x128xf32, #tpu.memory_space<hbm>>) dst(%dma_wait3A_1079 : memref<40x128xf32, #tpu.memory_space<vmem>>)
      %dma_start3A_1086 = arith.constant 1 : i32
      %dma_start3A_1087 = arith.constant 1 : i32
      %dma_start3A_1088 = arith.constant 0 : i32
      %dma_start3A_1089 = arith.constant 0 : i32
      %dma_start3A_1090 = arith.constant 0 : i32
      %dma_start3A_1091 = tpu.memref_slice %arg7[%dma_start3A_1086, %dma_start3A_1089, %dma_start3A_1090] : memref<4x40x128xf32, #tpu.memory_space<vmem>> -> memref<1x40x128xf32, #tpu.memory_space<vmem>>
      %dma_start3A_1092 = tpu.memref_squeeze %dma_start3A_1091 : memref<1x40x128xf32, #tpu.memory_space<vmem>> -> memref<40x128xf32, #tpu.memory_space<vmem>>
      %dma_start3A_1093 = arith.constant 0 : i32
      %dma_start3A_1094 = tpu.memref_slice %arg6[%dma_start3A_1087, %dma_start3A_1088, %dma_start3A_1093] : memref<4x2x40xi32, #tpu.memory_space<vmem>> -> memref<1x1x40xi32, #tpu.memory_space<vmem>>
      %dma_start3A_1095 = tpu.memref_squeeze %dma_start3A_1094 : memref<1x1x40xi32, #tpu.memory_space<vmem>> -> memref<40xi32, #tpu.memory_space<vmem>>
      %dma_start3A_1096 = arith.constant 0 : i32
      %dma_start3A_1097 = arith.constant 0 : i32
      %dma_start3A_1098 = tpu.memref_slice %arg10[%dma_start3A_1096, %dma_start3A_1097] : memref<10240x128xf32, #tpu.memory_space<vmem_shared>> -> memref<10240x128xf32, #tpu.memory_space<vmem_shared>>
      tpu.enqueue_indirect_dma source(%dma_start3A_1092 : memref<40x128xf32, #tpu.memory_space<vmem>>) target(%dma_start3A_1098 : memref<10240x128xf32, #tpu.memory_space<vmem_shared>>) offsets(%dma_start3A_1095 : memref<40xi32, #tpu.memory_space<vmem>>) semaphore(%arg21 : memref<!tpu.dma_semaphore, #tpu.memory_space<semaphore_mem>>) {add = true}
      %dma_start3A_1099 = arith.constant 1 : i32
      %dma_start3A_1100 = arith.constant 0 : i32
      %dma_start3A_1101 = arith.constant 0 : i32
      %dma_start3A_1102 = tpu.memref_slice %arg6[%dma_start3A_1099, %dma_start3A_1100, %dma_start3A_1101] : memref<4x2x40xi32, #tpu.memory_space<vmem>> -> memref<1x1x40xi32, #tpu.memory_space<vmem>>
      %dma_start3A_1103 = tpu.memref_squeeze %dma_start3A_1102 : memref<1x1x40xi32, #tpu.memory_space<vmem>> -> memref<40xi32, #tpu.memory_space<vmem>>
      %dma_start3A_1104 = arith.constant 0 : i32
      %dma_start3A_1105 = tpu.memref_slice %arg11[%dma_start3A_1104] : memref<10240xf32, #tpu.memory_space<vmem_shared>> -> memref<10240xf32, #tpu.memory_space<vmem_shared>>
      tpu.enqueue_indirect_dma source(%arg8 : memref<40xf32, #tpu.memory_space<vmem>>) target(%dma_start3A_1105 : memref<10240xf32, #tpu.memory_space<vmem_shared>>) offsets(%dma_start3A_1103 : memref<40xi32, #tpu.memory_space<vmem>>) semaphore(%arg25 : memref<!tpu.dma_semaphore, #tpu.memory_space<semaphore_mem>>) {add = true}
    }
    %scan3A_266 = arith.constant 61 : i32
    %dma_wait3A_267 = arith.constant 0 : i32
    %dma_wait3A_268 = arith.constant 0 : i32
    %dma_wait3A_269 = arith.constant 0 : i32
    %dma_wait3A_270 = arith.constant 0 : i32
    %dma_wait3A_271 = arith.constant 0 : i32
    %dma_wait3A_272 = tpu.memref_slice %arg7[%dma_wait3A_267, %dma_wait3A_270, %dma_wait3A_271] : memref<4x40x128xf32, #tpu.memory_space<vmem>> -> memref<1x40x128xf32, #tpu.memory_space<vmem>>
    %dma_wait3A_273 = tpu.memref_squeeze %dma_wait3A_272 : memref<1x40x128xf32, #tpu.memory_space<vmem>> -> memref<40x128xf32, #tpu.memory_space<vmem>>
    %dma_wait3A_274 = arith.constant 0 : i32
    %dma_wait3A_275 = tpu.memref_slice %arg6[%dma_wait3A_268, %dma_wait3A_269, %dma_wait3A_274] : memref<4x2x40xi32, #tpu.memory_space<vmem>> -> memref<1x1x40xi32, #tpu.memory_space<vmem>>
    %dma_wait3A_276 = tpu.memref_squeeze %dma_wait3A_275 : memref<1x1x40xi32, #tpu.memory_space<vmem>> -> memref<40xi32, #tpu.memory_space<vmem>>
    %dma_wait3A_277 = arith.constant 0 : i32
    %dma_wait3A_278 = arith.constant 0 : i32
    %dma_wait3A_279 = tpu.memref_slice %arg10[%dma_wait3A_277, %dma_wait3A_278] : memref<10240x128xf32, #tpu.memory_space<vmem_shared>> -> memref<10240x128xf32, #tpu.memory_space<vmem_shared>>
    tpu.wait_indirect_dma semaphore(%arg20 : memref<!tpu.dma_semaphore, #tpu.memory_space<semaphore_mem>>) src(%dma_wait3A_273 : memref<40x128xf32, #tpu.memory_space<vmem>>) dst(%dma_wait3A_279 : memref<10240x128xf32, #tpu.memory_space<vmem_shared>>)
    %dma_wait3A_280 = arith.constant 0 : i32
    %dma_wait3A_281 = arith.constant 0 : i32
    %dma_wait3A_282 = arith.constant 0 : i32
    %dma_wait3A_283 = tpu.memref_slice %arg6[%dma_wait3A_280, %dma_wait3A_281, %dma_wait3A_282] : memref<4x2x40xi32, #tpu.memory_space<vmem>> -> memref<1x1x40xi32, #tpu.memory_space<vmem>>
    %dma_wait3A_284 = tpu.memref_squeeze %dma_wait3A_283 : memref<1x1x40xi32, #tpu.memory_space<vmem>> -> memref<40xi32, #tpu.memory_space<vmem>>
    %dma_wait3A_285 = arith.constant 0 : i32
    %dma_wait3A_286 = tpu.memref_slice %arg11[%dma_wait3A_285] : memref<10240xf32, #tpu.memory_space<vmem_shared>> -> memref<10240xf32, #tpu.memory_space<vmem_shared>>
    tpu.wait_indirect_dma semaphore(%arg24 : memref<!tpu.dma_semaphore, #tpu.memory_space<semaphore_mem>>) src(%arg8 : memref<40xf32, #tpu.memory_space<vmem>>) dst(%dma_wait3A_286 : memref<10240xf32, #tpu.memory_space<vmem_shared>>)
    %dma_start3A_287 = arith.constant 248 : i32
    %dma_start3A_288 = arith.constant 0 : i32
    %dma_start3A_289 = arith.constant 0 : i32
    %dma_start3A_290 = arith.constant 0 : i32
    %dma_start3A_291 = tpu.memref_slice %arg6[%dma_start3A_288, %dma_start3A_289, %dma_start3A_290] : memref<4x2x40xi32, #tpu.memory_space<vmem>> -> memref<1x2x40xi32, #tpu.memory_space<vmem>>
    %dma_start3A_292 = tpu.memref_squeeze %dma_start3A_291 : memref<1x2x40xi32, #tpu.memory_space<vmem>> -> memref<2x40xi32, #tpu.memory_space<vmem>>
    %dma_start3A_293 = arith.constant 0 : i32
    %dma_start3A_294 = arith.constant 0 : i32
    %dma_start3A_295 = tpu.memref_slice %arg3[%arg0, %arg1, %dma_start3A_287, %dma_start3A_293, %dma_start3A_294] : memref<2x16x250x2x40xi32, #tpu.memory_space<hbm>> -> memref<1x1x1x2x40xi32, #tpu.memory_space<hbm>>
    %dma_start3A_296 = tpu.memref_squeeze %dma_start3A_295 : memref<1x1x1x2x40xi32, #tpu.memory_space<hbm>> -> memref<2x40xi32, #tpu.memory_space<hbm>>
    %dma_start3A_297 = arith.constant 0 : i32
    %dma_start3A_298 = arith.constant 0 : i32
    %dma_start3A_299 = tpu.memref_slice %arg6[%dma_start3A_288, %dma_start3A_297, %dma_start3A_298] : memref<4x2x40xi32, #tpu.memory_space<vmem>> -> memref<1x2x40xi32, #tpu.memory_space<vmem>>
    %dma_start3A_300 = tpu.memref_squeeze %dma_start3A_299 : memref<1x2x40xi32, #tpu.memory_space<vmem>> -> memref<2x40xi32, #tpu.memory_space<vmem>>
    %dma_start3A_301 = arith.constant 0 : i32
    %dma_start3A_302 = arith.constant 0 : i32
    %dma_start3A_303 = tpu.memref_slice %arg3[%arg0, %arg1, %dma_start3A_287, %dma_start3A_301, %dma_start3A_302] : memref<2x16x250x2x40xi32, #tpu.memory_space<hbm>> -> memref<1x1x1x2x40xi32, #tpu.memory_space<hbm>>
    %dma_start3A_304 = tpu.memref_squeeze %dma_start3A_303 : memref<1x1x1x2x40xi32, #tpu.memory_space<hbm>> -> memref<2x40xi32, #tpu.memory_space<hbm>>
    tpu.enqueue_dma source(%dma_start3A_304 : memref<2x40xi32, #tpu.memory_space<hbm>>) target(%dma_start3A_300 : memref<2x40xi32, #tpu.memory_space<vmem>>) target_semaphore(%arg12 : memref<!tpu.dma_semaphore, #tpu.memory_space<semaphore_mem>>)
    %dma_wait3A_305 = arith.constant 247 : i32
    %dma_wait3A_306 = arith.constant 3 : i32
    %dma_wait3A_307 = arith.constant 0 : i32
    %dma_wait3A_308 = arith.constant 0 : i32
    %dma_wait3A_309 = tpu.memref_slice %arg6[%dma_wait3A_306, %dma_wait3A_307, %dma_wait3A_308] : memref<4x2x40xi32, #tpu.memory_space<vmem>> -> memref<1x2x40xi32, #tpu.memory_space<vmem>>
    %dma_wait3A_310 = tpu.memref_squeeze %dma_wait3A_309 : memref<1x2x40xi32, #tpu.memory_space<vmem>> -> memref<2x40xi32, #tpu.memory_space<vmem>>
    %dma_wait3A_311 = arith.constant 0 : i32
    %dma_wait3A_312 = arith.constant 0 : i32
    %dma_wait3A_313 = tpu.memref_slice %arg3[%arg0, %arg1, %dma_wait3A_305, %dma_wait3A_311, %dma_wait3A_312] : memref<2x16x250x2x40xi32, #tpu.memory_space<hbm>> -> memref<1x1x1x2x40xi32, #tpu.memory_space<hbm>>
    %dma_wait3A_314 = tpu.memref_squeeze %dma_wait3A_313 : memref<1x1x1x2x40xi32, #tpu.memory_space<hbm>> -> memref<2x40xi32, #tpu.memory_space<hbm>>
    %dma_wait3A_315 = arith.constant 0 : i32
    %dma_wait3A_316 = arith.constant 0 : i32
    %dma_wait3A_317 = tpu.memref_slice %arg6[%dma_wait3A_306, %dma_wait3A_315, %dma_wait3A_316] : memref<4x2x40xi32, #tpu.memory_space<vmem>> -> memref<1x2x40xi32, #tpu.memory_space<vmem>>
    %dma_wait3A_318 = tpu.memref_squeeze %dma_wait3A_317 : memref<1x2x40xi32, #tpu.memory_space<vmem>> -> memref<2x40xi32, #tpu.memory_space<vmem>>
    %dma_wait3A_319 = arith.constant 0 : i32
    %dma_wait3A_320 = arith.constant 0 : i32
    %dma_wait3A_321 = tpu.memref_slice %arg3[%arg0, %arg1, %dma_wait3A_305, %dma_wait3A_319, %dma_wait3A_320] : memref<2x16x250x2x40xi32, #tpu.memory_space<hbm>> -> memref<1x1x1x2x40xi32, #tpu.memory_space<hbm>>
    %dma_wait3A_322 = tpu.memref_squeeze %dma_wait3A_321 : memref<1x1x1x2x40xi32, #tpu.memory_space<hbm>> -> memref<2x40xi32, #tpu.memory_space<hbm>>
    tpu.wait_dma2 semaphore(%arg15 : memref<!tpu.dma_semaphore, #tpu.memory_space<semaphore_mem>>) src(%dma_wait3A_322 : memref<2x40xi32, #tpu.memory_space<hbm>>) dst(%dma_wait3A_318 : memref<2x40xi32, #tpu.memory_space<vmem>>)
    %dma_start3A_323 = arith.constant 3 : i32
    %dma_start3A_324 = arith.constant 1 : i32
    %dma_start3A_325 = arith.constant 3 : i32
    %dma_start3A_326 = arith.constant 0 : i32
    %dma_start3A_327 = arith.constant 0 : i32
    %dma_start3A_328 = tpu.memref_slice %arg7[%dma_start3A_325, %dma_start3A_326, %dma_start3A_327] : memref<4x40x128xf32, #tpu.memory_space<vmem>> -> memref<1x40x128xf32, #tpu.memory_space<vmem>>
    %dma_start3A_329 = tpu.memref_squeeze %dma_start3A_328 : memref<1x40x128xf32, #tpu.memory_space<vmem>> -> memref<40x128xf32, #tpu.memory_space<vmem>>
    %dma_start3A_330 = arith.constant 0 : i32
    %dma_start3A_331 = tpu.memref_slice %arg6[%dma_start3A_323, %dma_start3A_324, %dma_start3A_330] : memref<4x2x40xi32, #tpu.memory_space<vmem>> -> memref<1x1x40xi32, #tpu.memory_space<vmem>>
    %dma_start3A_332 = tpu.memref_squeeze %dma_start3A_331 : memref<1x1x40xi32, #tpu.memory_space<vmem>> -> memref<40xi32, #tpu.memory_space<vmem>>
    %dma_start3A_333 = arith.constant 0 : i32
    %dma_start3A_334 = arith.constant 0 : i32
    %dma_start3A_335 = tpu.memref_slice %arg2[%dma_start3A_333, %dma_start3A_334] : memref<10000x128xf32, #tpu.memory_space<hbm>> -> memref<10000x128xf32, #tpu.memory_space<hbm>>
    tpu.enqueue_indirect_dma source(%dma_start3A_335 : memref<10000x128xf32, #tpu.memory_space<hbm>>) target(%dma_start3A_329 : memref<40x128xf32, #tpu.memory_space<vmem>>) offsets(%dma_start3A_332 : memref<40xi32, #tpu.memory_space<vmem>>) semaphore(%arg19 : memref<!tpu.dma_semaphore, #tpu.memory_space<semaphore_mem>>)
    %dma_wait3A_336 = arith.constant 2 : i32
    %dma_wait3A_337 = arith.constant 1 : i32
    %dma_wait3A_338 = arith.constant 2 : i32
    %dma_wait3A_339 = arith.constant 0 : i32
    %dma_wait3A_340 = arith.constant 0 : i32
    %dma_wait3A_341 = tpu.memref_slice %arg7[%dma_wait3A_338, %dma_wait3A_339, %dma_wait3A_340] : memref<4x40x128xf32, #tpu.memory_space<vmem>> -> memref<1x40x128xf32, #tpu.memory_space<vmem>>
    %dma_wait3A_342 = tpu.memref_squeeze %dma_wait3A_341 : memref<1x40x128xf32, #tpu.memory_space<vmem>> -> memref<40x128xf32, #tpu.memory_space<vmem>>
    %dma_wait3A_343 = arith.constant 0 : i32
    %dma_wait3A_344 = tpu.memref_slice %arg6[%dma_wait3A_336, %dma_wait3A_337, %dma_wait3A_343] : memref<4x2x40xi32, #tpu.memory_space<vmem>> -> memref<1x1x40xi32, #tpu.memory_space<vmem>>
    %dma_wait3A_345 = tpu.memref_squeeze %dma_wait3A_344 : memref<1x1x40xi32, #tpu.memory_space<vmem>> -> memref<40xi32, #tpu.memory_space<vmem>>
    %dma_wait3A_346 = arith.constant 0 : i32
    %dma_wait3A_347 = arith.constant 0 : i32
    %dma_wait3A_348 = tpu.memref_slice %arg2[%dma_wait3A_346, %dma_wait3A_347] : memref<10000x128xf32, #tpu.memory_space<hbm>> -> memref<10000x128xf32, #tpu.memory_space<hbm>>
    tpu.wait_indirect_dma semaphore(%arg18 : memref<!tpu.dma_semaphore, #tpu.memory_space<semaphore_mem>>) src(%dma_wait3A_348 : memref<10000x128xf32, #tpu.memory_space<hbm>>) dst(%dma_wait3A_342 : memref<40x128xf32, #tpu.memory_space<vmem>>)
    %dma_start3A_349 = arith.constant 2 : i32
    %dma_start3A_350 = arith.constant 2 : i32
    %dma_start3A_351 = arith.constant 0 : i32
    %dma_start3A_352 = arith.constant 0 : i32
    %dma_start3A_353 = arith.constant 0 : i32
    %dma_start3A_354 = tpu.memref_slice %arg7[%dma_start3A_349, %dma_start3A_352, %dma_start3A_353] : memref<4x40x128xf32, #tpu.memory_space<vmem>> -> memref<1x40x128xf32, #tpu.memory_space<vmem>>
    %dma_start3A_355 = tpu.memref_squeeze %dma_start3A_354 : memref<1x40x128xf32, #tpu.memory_space<vmem>> -> memref<40x128xf32, #tpu.memory_space<vmem>>
    %dma_start3A_356 = arith.constant 0 : i32
    %dma_start3A_357 = tpu.memref_slice %arg6[%dma_start3A_350, %dma_start3A_351, %dma_start3A_356] : memref<4x2x40xi32, #tpu.memory_space<vmem>> -> memref<1x1x40xi32, #tpu.memory_space<vmem>>
    %dma_start3A_358 = tpu.memref_squeeze %dma_start3A_357 : memref<1x1x40xi32, #tpu.memory_space<vmem>> -> memref<40xi32, #tpu.memory_space<vmem>>
    %dma_start3A_359 = arith.constant 0 : i32
    %dma_start3A_360 = arith.constant 0 : i32
    %dma_start3A_361 = tpu.memref_slice %arg10[%dma_start3A_359, %dma_start3A_360] : memref<10240x128xf32, #tpu.memory_space<vmem_shared>> -> memref<10240x128xf32, #tpu.memory_space<vmem_shared>>
    tpu.enqueue_indirect_dma source(%dma_start3A_355 : memref<40x128xf32, #tpu.memory_space<vmem>>) target(%dma_start3A_361 : memref<10240x128xf32, #tpu.memory_space<vmem_shared>>) offsets(%dma_start3A_358 : memref<40xi32, #tpu.memory_space<vmem>>) semaphore(%arg22 : memref<!tpu.dma_semaphore, #tpu.memory_space<semaphore_mem>>) {add = true}
    %dma_start3A_362 = arith.constant 2 : i32
    %dma_start3A_363 = arith.constant 0 : i32
    %dma_start3A_364 = arith.constant 0 : i32
    %dma_start3A_365 = tpu.memref_slice %arg6[%dma_start3A_362, %dma_start3A_363, %dma_start3A_364] : memref<4x2x40xi32, #tpu.memory_space<vmem>> -> memref<1x1x40xi32, #tpu.memory_space<vmem>>
    %dma_start3A_366 = tpu.memref_squeeze %dma_start3A_365 : memref<1x1x40xi32, #tpu.memory_space<vmem>> -> memref<40xi32, #tpu.memory_space<vmem>>
    %dma_start3A_367 = arith.constant 0 : i32
    %dma_start3A_368 = tpu.memref_slice %arg11[%dma_start3A_367] : memref<10240xf32, #tpu.memory_space<vmem_shared>> -> memref<10240xf32, #tpu.memory_space<vmem_shared>>
    tpu.enqueue_indirect_dma source(%arg8 : memref<40xf32, #tpu.memory_space<vmem>>) target(%dma_start3A_368 : memref<10240xf32, #tpu.memory_space<vmem_shared>>) offsets(%dma_start3A_366 : memref<40xi32, #tpu.memory_space<vmem>>) semaphore(%arg26 : memref<!tpu.dma_semaphore, #tpu.memory_space<semaphore_mem>>) {add = true}
    %dma_wait3A_369 = arith.constant 1 : i32
    %dma_wait3A_370 = arith.constant 1 : i32
    %dma_wait3A_371 = arith.constant 0 : i32
    %dma_wait3A_372 = arith.constant 0 : i32
    %dma_wait3A_373 = arith.constant 0 : i32
    %dma_wait3A_374 = tpu.memref_slice %arg7[%dma_wait3A_369, %dma_wait3A_372, %dma_wait3A_373] : memref<4x40x128xf32, #tpu.memory_space<vmem>> -> memref<1x40x128xf32, #tpu.memory_space<vmem>>
    %dma_wait3A_375 = tpu.memref_squeeze %dma_wait3A_374 : memref<1x40x128xf32, #tpu.memory_space<vmem>> -> memref<40x128xf32, #tpu.memory_space<vmem>>
    %dma_wait3A_376 = arith.constant 0 : i32
    %dma_wait3A_377 = tpu.memref_slice %arg6[%dma_wait3A_370, %dma_wait3A_371, %dma_wait3A_376] : memref<4x2x40xi32, #tpu.memory_space<vmem>> -> memref<1x1x40xi32, #tpu.memory_space<vmem>>
    %dma_wait3A_378 = tpu.memref_squeeze %dma_wait3A_377 : memref<1x1x40xi32, #tpu.memory_space<vmem>> -> memref<40xi32, #tpu.memory_space<vmem>>
    %dma_wait3A_379 = arith.constant 0 : i32
    %dma_wait3A_380 = arith.constant 0 : i32
    %dma_wait3A_381 = tpu.memref_slice %arg10[%dma_wait3A_379, %dma_wait3A_380] : memref<10240x128xf32, #tpu.memory_space<vmem_shared>> -> memref<10240x128xf32, #tpu.memory_space<vmem_shared>>
    tpu.wait_indirect_dma semaphore(%arg21 : memref<!tpu.dma_semaphore, #tpu.memory_space<semaphore_mem>>) src(%dma_wait3A_375 : memref<40x128xf32, #tpu.memory_space<vmem>>) dst(%dma_wait3A_381 : memref<10240x128xf32, #tpu.memory_space<vmem_shared>>)
    %dma_wait3A_382 = arith.constant 1 : i32
    %dma_wait3A_383 = arith.constant 0 : i32
    %dma_wait3A_384 = arith.constant 0 : i32
    %dma_wait3A_385 = tpu.memref_slice %arg6[%dma_wait3A_382, %dma_wait3A_383, %dma_wait3A_384] : memref<4x2x40xi32, #tpu.memory_space<vmem>> -> memref<1x1x40xi32, #tpu.memory_space<vmem>>
    %dma_wait3A_386 = tpu.memref_squeeze %dma_wait3A_385 : memref<1x1x40xi32, #tpu.memory_space<vmem>> -> memref<40xi32, #tpu.memory_space<vmem>>
    %dma_wait3A_387 = arith.constant 0 : i32
    %dma_wait3A_388 = tpu.memref_slice %arg11[%dma_wait3A_387] : memref<10240xf32, #tpu.memory_space<vmem_shared>> -> memref<10240xf32, #tpu.memory_space<vmem_shared>>
    tpu.wait_indirect_dma semaphore(%arg25 : memref<!tpu.dma_semaphore, #tpu.memory_space<semaphore_mem>>) src(%arg8 : memref<40xf32, #tpu.memory_space<vmem>>) dst(%dma_wait3A_388 : memref<10240xf32, #tpu.memory_space<vmem_shared>>)
    %dma_start3A_389 = arith.constant 249 : i32
    %dma_start3A_390 = arith.constant 1 : i32
    %dma_start3A_391 = arith.constant 0 : i32
    %dma_start3A_392 = arith.constant 0 : i32
    %dma_start3A_393 = tpu.memref_slice %arg6[%dma_start3A_390, %dma_start3A_391, %dma_start3A_392] : memref<4x2x40xi32, #tpu.memory_space<vmem>> -> memref<1x2x40xi32, #tpu.memory_space<vmem>>
    %dma_start3A_394 = tpu.memref_squeeze %dma_start3A_393 : memref<1x2x40xi32, #tpu.memory_space<vmem>> -> memref<2x40xi32, #tpu.memory_space<vmem>>
    %dma_start3A_395 = arith.constant 0 : i32
    %dma_start3A_396 = arith.constant 0 : i32
    %dma_start3A_397 = tpu.memref_slice %arg3[%arg0, %arg1, %dma_start3A_389, %dma_start3A_395, %dma_start3A_396] : memref<2x16x250x2x40xi32, #tpu.memory_space<hbm>> -> memref<1x1x1x2x40xi32, #tpu.memory_space<hbm>>
    %dma_start3A_398 = tpu.memref_squeeze %dma_start3A_397 : memref<1x1x1x2x40xi32, #tpu.memory_space<hbm>> -> memref<2x40xi32, #tpu.memory_space<hbm>>
    %dma_start3A_399 = arith.constant 0 : i32
    %dma_start3A_400 = arith.constant 0 : i32
    %dma_start3A_401 = tpu.memref_slice %arg6[%dma_start3A_390, %dma_start3A_399, %dma_start3A_400] : memref<4x2x40xi32, #tpu.memory_space<vmem>> -> memref<1x2x40xi32, #tpu.memory_space<vmem>>
    %dma_start3A_402 = tpu.memref_squeeze %dma_start3A_401 : memref<1x2x40xi32, #tpu.memory_space<vmem>> -> memref<2x40xi32, #tpu.memory_space<vmem>>
    %dma_start3A_403 = arith.constant 0 : i32
    %dma_start3A_404 = arith.constant 0 : i32
    %dma_start3A_405 = tpu.memref_slice %arg3[%arg0, %arg1, %dma_start3A_389, %dma_start3A_403, %dma_start3A_404] : memref<2x16x250x2x40xi32, #tpu.memory_space<hbm>> -> memref<1x1x1x2x40xi32, #tpu.memory_space<hbm>>
    %dma_start3A_406 = tpu.memref_squeeze %dma_start3A_405 : memref<1x1x1x2x40xi32, #tpu.memory_space<hbm>> -> memref<2x40xi32, #tpu.memory_space<hbm>>
    tpu.enqueue_dma source(%dma_start3A_406 : memref<2x40xi32, #tpu.memory_space<hbm>>) target(%dma_start3A_402 : memref<2x40xi32, #tpu.memory_space<vmem>>) target_semaphore(%arg13 : memref<!tpu.dma_semaphore, #tpu.memory_space<semaphore_mem>>)
    %dma_wait3A_407 = arith.constant 248 : i32
    %dma_wait3A_408 = arith.constant 0 : i32
    %dma_wait3A_409 = arith.constant 0 : i32
    %dma_wait3A_410 = arith.constant 0 : i32
    %dma_wait3A_411 = tpu.memref_slice %arg6[%dma_wait3A_408, %dma_wait3A_409, %dma_wait3A_410] : memref<4x2x40xi32, #tpu.memory_space<vmem>> -> memref<1x2x40xi32, #tpu.memory_space<vmem>>
    %dma_wait3A_412 = tpu.memref_squeeze %dma_wait3A_411 : memref<1x2x40xi32, #tpu.memory_space<vmem>> -> memref<2x40xi32, #tpu.memory_space<vmem>>
    %dma_wait3A_413 = arith.constant 0 : i32
    %dma_wait3A_414 = arith.constant 0 : i32
    %dma_wait3A_415 = tpu.memref_slice %arg3[%arg0, %arg1, %dma_wait3A_407, %dma_wait3A_413, %dma_wait3A_414] : memref<2x16x250x2x40xi32, #tpu.memory_space<hbm>> -> memref<1x1x1x2x40xi32, #tpu.memory_space<hbm>>
    %dma_wait3A_416 = tpu.memref_squeeze %dma_wait3A_415 : memref<1x1x1x2x40xi32, #tpu.memory_space<hbm>> -> memref<2x40xi32, #tpu.memory_space<hbm>>
    %dma_wait3A_417 = arith.constant 0 : i32
    %dma_wait3A_418 = arith.constant 0 : i32
    %dma_wait3A_419 = tpu.memref_slice %arg6[%dma_wait3A_408, %dma_wait3A_417, %dma_wait3A_418] : memref<4x2x40xi32, #tpu.memory_space<vmem>> -> memref<1x2x40xi32, #tpu.memory_space<vmem>>
    %dma_wait3A_420 = tpu.memref_squeeze %dma_wait3A_419 : memref<1x2x40xi32, #tpu.memory_space<vmem>> -> memref<2x40xi32, #tpu.memory_space<vmem>>
    %dma_wait3A_421 = arith.constant 0 : i32
    %dma_wait3A_422 = arith.constant 0 : i32
    %dma_wait3A_423 = tpu.memref_slice %arg3[%arg0, %arg1, %dma_wait3A_407, %dma_wait3A_421, %dma_wait3A_422] : memref<2x16x250x2x40xi32, #tpu.memory_space<hbm>> -> memref<1x1x1x2x40xi32, #tpu.memory_space<hbm>>
    %dma_wait3A_424 = tpu.memref_squeeze %dma_wait3A_423 : memref<1x1x1x2x40xi32, #tpu.memory_space<hbm>> -> memref<2x40xi32, #tpu.memory_space<hbm>>
    tpu.wait_dma2 semaphore(%arg12 : memref<!tpu.dma_semaphore, #tpu.memory_space<semaphore_mem>>) src(%dma_wait3A_424 : memref<2x40xi32, #tpu.memory_space<hbm>>) dst(%dma_wait3A_420 : memref<2x40xi32, #tpu.memory_space<vmem>>)
    %dma_start3A_425 = arith.constant 0 : i32
    %dma_start3A_426 = arith.constant 1 : i32
    %dma_start3A_427 = arith.constant 0 : i32
    %dma_start3A_428 = arith.constant 0 : i32
    %dma_start3A_429 = arith.constant 0 : i32
    %dma_start3A_430 = tpu.memref_slice %arg7[%dma_start3A_427, %dma_start3A_428, %dma_start3A_429] : memref<4x40x128xf32, #tpu.memory_space<vmem>> -> memref<1x40x128xf32, #tpu.memory_space<vmem>>
    %dma_start3A_431 = tpu.memref_squeeze %dma_start3A_430 : memref<1x40x128xf32, #tpu.memory_space<vmem>> -> memref<40x128xf32, #tpu.memory_space<vmem>>
    %dma_start3A_432 = arith.constant 0 : i32
    %dma_start3A_433 = tpu.memref_slice %arg6[%dma_start3A_425, %dma_start3A_426, %dma_start3A_432] : memref<4x2x40xi32, #tpu.memory_space<vmem>> -> memref<1x1x40xi32, #tpu.memory_space<vmem>>
    %dma_start3A_434 = tpu.memref_squeeze %dma_start3A_433 : memref<1x1x40xi32, #tpu.memory_space<vmem>> -> memref<40xi32, #tpu.memory_space<vmem>>
    %dma_start3A_435 = arith.constant 0 : i32
    %dma_start3A_436 = arith.constant 0 : i32
    %dma_start3A_437 = tpu.memref_slice %arg2[%dma_start3A_435, %dma_start3A_436] : memref<10000x128xf32, #tpu.memory_space<hbm>> -> memref<10000x128xf32, #tpu.memory_space<hbm>>
    tpu.enqueue_indirect_dma source(%dma_start3A_437 : memref<10000x128xf32, #tpu.memory_space<hbm>>) target(%dma_start3A_431 : memref<40x128xf32, #tpu.memory_space<vmem>>) offsets(%dma_start3A_434 : memref<40xi32, #tpu.memory_space<vmem>>) semaphore(%arg16 : memref<!tpu.dma_semaphore, #tpu.memory_space<semaphore_mem>>)
    %dma_wait3A_438 = arith.constant 3 : i32
    %dma_wait3A_439 = arith.constant 1 : i32
    %dma_wait3A_440 = arith.constant 3 : i32
    %dma_wait3A_441 = arith.constant 0 : i32
    %dma_wait3A_442 = arith.constant 0 : i32
    %dma_wait3A_443 = tpu.memref_slice %arg7[%dma_wait3A_440, %dma_wait3A_441, %dma_wait3A_442] : memref<4x40x128xf32, #tpu.memory_space<vmem>> -> memref<1x40x128xf32, #tpu.memory_space<vmem>>
    %dma_wait3A_444 = tpu.memref_squeeze %dma_wait3A_443 : memref<1x40x128xf32, #tpu.memory_space<vmem>> -> memref<40x128xf32, #tpu.memory_space<vmem>>
    %dma_wait3A_445 = arith.constant 0 : i32
    %dma_wait3A_446 = tpu.memref_slice %arg6[%dma_wait3A_438, %dma_wait3A_439, %dma_wait3A_445] : memref<4x2x40xi32, #tpu.memory_space<vmem>> -> memref<1x1x40xi32, #tpu.memory_space<vmem>>
    %dma_wait3A_447 = tpu.memref_squeeze %dma_wait3A_446 : memref<1x1x40xi32, #tpu.memory_space<vmem>> -> memref<40xi32, #tpu.memory_space<vmem>>
    %dma_wait3A_448 = arith.constant 0 : i32
    %dma_wait3A_449 = arith.constant 0 : i32
    %dma_wait3A_450 = tpu.memref_slice %arg2[%dma_wait3A_448, %dma_wait3A_449] : memref<10000x128xf32, #tpu.memory_space<hbm>> -> memref<10000x128xf32, #tpu.memory_space<hbm>>
    tpu.wait_indirect_dma semaphore(%arg19 : memref<!tpu.dma_semaphore, #tpu.memory_space<semaphore_mem>>) src(%dma_wait3A_450 : memref<10000x128xf32, #tpu.memory_space<hbm>>) dst(%dma_wait3A_444 : memref<40x128xf32, #tpu.memory_space<vmem>>)
    %dma_start3A_451 = arith.constant 3 : i32
    %dma_start3A_452 = arith.constant 3 : i32
    %dma_start3A_453 = arith.constant 0 : i32
    %dma_start3A_454 = arith.constant 0 : i32
    %dma_start3A_455 = arith.constant 0 : i32
    %dma_start3A_456 = tpu.memref_slice %arg7[%dma_start3A_451, %dma_start3A_454, %dma_start3A_455] : memref<4x40x128xf32, #tpu.memory_space<vmem>> -> memref<1x40x128xf32, #tpu.memory_space<vmem>>
    %dma_start3A_457 = tpu.memref_squeeze %dma_start3A_456 : memref<1x40x128xf32, #tpu.memory_space<vmem>> -> memref<40x128xf32, #tpu.memory_space<vmem>>
    %dma_start3A_458 = arith.constant 0 : i32
    %dma_start3A_459 = tpu.memref_slice %arg6[%dma_start3A_452, %dma_start3A_453, %dma_start3A_458] : memref<4x2x40xi32, #tpu.memory_space<vmem>> -> memref<1x1x40xi32, #tpu.memory_space<vmem>>
    %dma_start3A_460 = tpu.memref_squeeze %dma_start3A_459 : memref<1x1x40xi32, #tpu.memory_space<vmem>> -> memref<40xi32, #tpu.memory_space<vmem>>
    %dma_start3A_461 = arith.constant 0 : i32
    %dma_start3A_462 = arith.constant 0 : i32
    %dma_start3A_463 = tpu.memref_slice %arg10[%dma_start3A_461, %dma_start3A_462] : memref<10240x128xf32, #tpu.memory_space<vmem_shared>> -> memref<10240x128xf32, #tpu.memory_space<vmem_shared>>
    tpu.enqueue_indirect_dma source(%dma_start3A_457 : memref<40x128xf32, #tpu.memory_space<vmem>>) target(%dma_start3A_463 : memref<10240x128xf32, #tpu.memory_space<vmem_shared>>) offsets(%dma_start3A_460 : memref<40xi32, #tpu.memory_space<vmem>>) semaphore(%arg23 : memref<!tpu.dma_semaphore, #tpu.memory_space<semaphore_mem>>) {add = true}
    %dma_start3A_464 = arith.constant 3 : i32
    %dma_start3A_465 = arith.constant 0 : i32
    %dma_start3A_466 = arith.constant 0 : i32
    %dma_start3A_467 = tpu.memref_slice %arg6[%dma_start3A_464, %dma_start3A_465, %dma_start3A_466] : memref<4x2x40xi32, #tpu.memory_space<vmem>> -> memref<1x1x40xi32, #tpu.memory_space<vmem>>
    %dma_start3A_468 = tpu.memref_squeeze %dma_start3A_467 : memref<1x1x40xi32, #tpu.memory_space<vmem>> -> memref<40xi32, #tpu.memory_space<vmem>>
    %dma_start3A_469 = arith.constant 0 : i32
    %dma_start3A_470 = tpu.memref_slice %arg11[%dma_start3A_469] : memref<10240xf32, #tpu.memory_space<vmem_shared>> -> memref<10240xf32, #tpu.memory_space<vmem_shared>>
    tpu.enqueue_indirect_dma source(%arg8 : memref<40xf32, #tpu.memory_space<vmem>>) target(%dma_start3A_470 : memref<10240xf32, #tpu.memory_space<vmem_shared>>) offsets(%dma_start3A_468 : memref<40xi32, #tpu.memory_space<vmem>>) semaphore(%arg27 : memref<!tpu.dma_semaphore, #tpu.memory_space<semaphore_mem>>) {add = true}
    %dma_wait3A_471 = arith.constant 2 : i32
    %dma_wait3A_472 = arith.constant 2 : i32
    %dma_wait3A_473 = arith.constant 0 : i32
    %dma_wait3A_474 = arith.constant 0 : i32
    %dma_wait3A_475 = arith.constant 0 : i32
    %dma_wait3A_476 = tpu.memref_slice %arg7[%dma_wait3A_471, %dma_wait3A_474, %dma_wait3A_475] : memref<4x40x128xf32, #tpu.memory_space<vmem>> -> memref<1x40x128xf32, #tpu.memory_space<vmem>>
    %dma_wait3A_477 = tpu.memref_squeeze %dma_wait3A_476 : memref<1x40x128xf32, #tpu.memory_space<vmem>> -> memref<40x128xf32, #tpu.memory_space<vmem>>
    %dma_wait3A_478 = arith.constant 0 : i32
    %dma_wait3A_479 = tpu.memref_slice %arg6[%dma_wait3A_472, %dma_wait3A_473, %dma_wait3A_478] : memref<4x2x40xi32, #tpu.memory_space<vmem>> -> memref<1x1x40xi32, #tpu.memory_space<vmem>>
    %dma_wait3A_480 = tpu.memref_squeeze %dma_wait3A_479 : memref<1x1x40xi32, #tpu.memory_space<vmem>> -> memref<40xi32, #tpu.memory_space<vmem>>
    %dma_wait3A_481 = arith.constant 0 : i32
    %dma_wait3A_482 = arith.constant 0 : i32
    %dma_wait3A_483 = tpu.memref_slice %arg10[%dma_wait3A_481, %dma_wait3A_482] : memref<10240x128xf32, #tpu.memory_space<vmem_shared>> -> memref<10240x128xf32, #tpu.memory_space<vmem_shared>>
    tpu.wait_indirect_dma semaphore(%arg22 : memref<!tpu.dma_semaphore, #tpu.memory_space<semaphore_mem>>) src(%dma_wait3A_477 : memref<40x128xf32, #tpu.memory_space<vmem>>) dst(%dma_wait3A_483 : memref<10240x128xf32, #tpu.memory_space<vmem_shared>>)
    %dma_wait3A_484 = arith.constant 2 : i32
    %dma_wait3A_485 = arith.constant 0 : i32
    %dma_wait3A_486 = arith.constant 0 : i32
    %dma_wait3A_487 = tpu.memref_slice %arg6[%dma_wait3A_484, %dma_wait3A_485, %dma_wait3A_486] : memref<4x2x40xi32, #tpu.memory_space<vmem>> -> memref<1x1x40xi32, #tpu.memory_space<vmem>>
    %dma_wait3A_488 = tpu.memref_squeeze %dma_wait3A_487 : memref<1x1x40xi32, #tpu.memory_space<vmem>> -> memref<40xi32, #tpu.memory_space<vmem>>
    %dma_wait3A_489 = arith.constant 0 : i32
    %dma_wait3A_490 = tpu.memref_slice %arg11[%dma_wait3A_489] : memref<10240xf32, #tpu.memory_space<vmem_shared>> -> memref<10240xf32, #tpu.memory_space<vmem_shared>>
    tpu.wait_indirect_dma semaphore(%arg26 : memref<!tpu.dma_semaphore, #tpu.memory_space<semaphore_mem>>) src(%arg8 : memref<40xf32, #tpu.memory_space<vmem>>) dst(%dma_wait3A_490 : memref<10240xf32, #tpu.memory_space<vmem_shared>>)
    %dma_wait3A_491 = arith.constant 249 : i32
    %dma_wait3A_492 = arith.constant 1 : i32
    %dma_wait3A_493 = arith.constant 0 : i32
    %dma_wait3A_494 = arith.constant 0 : i32
    %dma_wait3A_495 = tpu.memref_slice %arg6[%dma_wait3A_492, %dma_wait3A_493, %dma_wait3A_494] : memref<4x2x40xi32, #tpu.memory_space<vmem>> -> memref<1x2x40xi32, #tpu.memory_space<vmem>>
    %dma_wait3A_496 = tpu.memref_squeeze %dma_wait3A_495 : memref<1x2x40xi32, #tpu.memory_space<vmem>> -> memref<2x40xi32, #tpu.memory_space<vmem>>
    %dma_wait3A_497 = arith.constant 0 : i32
    %dma_wait3A_498 = arith.constant 0 : i32
    %dma_wait3A_499 = tpu.memref_slice %arg3[%arg0, %arg1, %dma_wait3A_491, %dma_wait3A_497, %dma_wait3A_498] : memref<2x16x250x2x40xi32, #tpu.memory_space<hbm>> -> memref<1x1x1x2x40xi32, #tpu.memory_space<hbm>>
    %dma_wait3A_500 = tpu.memref_squeeze %dma_wait3A_499 : memref<1x1x1x2x40xi32, #tpu.memory_space<hbm>> -> memref<2x40xi32, #tpu.memory_space<hbm>>
    %dma_wait3A_501 = arith.constant 0 : i32
    %dma_wait3A_502 = arith.constant 0 : i32
    %dma_wait3A_503 = tpu.memref_slice %arg6[%dma_wait3A_492, %dma_wait3A_501, %dma_wait3A_502] : memref<4x2x40xi32, #tpu.memory_space<vmem>> -> memref<1x2x40xi32, #tpu.memory_space<vmem>>
    %dma_wait3A_504 = tpu.memref_squeeze %dma_wait3A_503 : memref<1x2x40xi32, #tpu.memory_space<vmem>> -> memref<2x40xi32, #tpu.memory_space<vmem>>
    %dma_wait3A_505 = arith.constant 0 : i32
    %dma_wait3A_506 = arith.constant 0 : i32
    %dma_wait3A_507 = tpu.memref_slice %arg3[%arg0, %arg1, %dma_wait3A_491, %dma_wait3A_505, %dma_wait3A_506] : memref<2x16x250x2x40xi32, #tpu.memory_space<hbm>> -> memref<1x1x1x2x40xi32, #tpu.memory_space<hbm>>
    %dma_wait3A_508 = tpu.memref_squeeze %dma_wait3A_507 : memref<1x1x1x2x40xi32, #tpu.memory_space<hbm>> -> memref<2x40xi32, #tpu.memory_space<hbm>>
    tpu.wait_dma2 semaphore(%arg13 : memref<!tpu.dma_semaphore, #tpu.memory_space<semaphore_mem>>) src(%dma_wait3A_508 : memref<2x40xi32, #tpu.memory_space<hbm>>) dst(%dma_wait3A_504 : memref<2x40xi32, #tpu.memory_space<vmem>>)
    %dma_start3A_509 = arith.constant 1 : i32
    %dma_start3A_510 = arith.constant 1 : i32
    %dma_start3A_511 = arith.constant 1 : i32
    %dma_start3A_512 = arith.constant 0 : i32
    %dma_start3A_513 = arith.constant 0 : i32
    %dma_start3A_514 = tpu.memref_slice %arg7[%dma_start3A_511, %dma_start3A_512, %dma_start3A_513] : memref<4x40x128xf32, #tpu.memory_space<vmem>> -> memref<1x40x128xf32, #tpu.memory_space<vmem>>
    %dma_start3A_515 = tpu.memref_squeeze %dma_start3A_514 : memref<1x40x128xf32, #tpu.memory_space<vmem>> -> memref<40x128xf32, #tpu.memory_space<vmem>>
    %dma_start3A_516 = arith.constant 0 : i32
    %dma_start3A_517 = tpu.memref_slice %arg6[%dma_start3A_509, %dma_start3A_510, %dma_start3A_516] : memref<4x2x40xi32, #tpu.memory_space<vmem>> -> memref<1x1x40xi32, #tpu.memory_space<vmem>>
    %dma_start3A_518 = tpu.memref_squeeze %dma_start3A_517 : memref<1x1x40xi32, #tpu.memory_space<vmem>> -> memref<40xi32, #tpu.memory_space<vmem>>
    %dma_start3A_519 = arith.constant 0 : i32
    %dma_start3A_520 = arith.constant 0 : i32
    %dma_start3A_521 = tpu.memref_slice %arg2[%dma_start3A_519, %dma_start3A_520] : memref<10000x128xf32, #tpu.memory_space<hbm>> -> memref<10000x128xf32, #tpu.memory_space<hbm>>
    tpu.enqueue_indirect_dma source(%dma_start3A_521 : memref<10000x128xf32, #tpu.memory_space<hbm>>) target(%dma_start3A_515 : memref<40x128xf32, #tpu.memory_space<vmem>>) offsets(%dma_start3A_518 : memref<40xi32, #tpu.memory_space<vmem>>) semaphore(%arg17 : memref<!tpu.dma_semaphore, #tpu.memory_space<semaphore_mem>>)
    %dma_wait3A_522 = arith.constant 0 : i32
    %dma_wait3A_523 = arith.constant 1 : i32
    %dma_wait3A_524 = arith.constant 0 : i32
    %dma_wait3A_525 = arith.constant 0 : i32
    %dma_wait3A_526 = arith.constant 0 : i32
    %dma_wait3A_527 = tpu.memref_slice %arg7[%dma_wait3A_524, %dma_wait3A_525, %dma_wait3A_526] : memref<4x40x128xf32, #tpu.memory_space<vmem>> -> memref<1x40x128xf32, #tpu.memory_space<vmem>>
    %dma_wait3A_528 = tpu.memref_squeeze %dma_wait3A_527 : memref<1x40x128xf32, #tpu.memory_space<vmem>> -> memref<40x128xf32, #tpu.memory_space<vmem>>
    %dma_wait3A_529 = arith.constant 0 : i32
    %dma_wait3A_530 = tpu.memref_slice %arg6[%dma_wait3A_522, %dma_wait3A_523, %dma_wait3A_529] : memref<4x2x40xi32, #tpu.memory_space<vmem>> -> memref<1x1x40xi32, #tpu.memory_space<vmem>>
    %dma_wait3A_531 = tpu.memref_squeeze %dma_wait3A_530 : memref<1x1x40xi32, #tpu.memory_space<vmem>> -> memref<40xi32, #tpu.memory_space<vmem>>
    %dma_wait3A_532 = arith.constant 0 : i32
    %dma_wait3A_533 = arith.constant 0 : i32
    %dma_wait3A_534 = tpu.memref_slice %arg2[%dma_wait3A_532, %dma_wait3A_533] : memref<10000x128xf32, #tpu.memory_space<hbm>> -> memref<10000x128xf32, #tpu.memory_space<hbm>>
    tpu.wait_indirect_dma semaphore(%arg16 : memref<!tpu.dma_semaphore, #tpu.memory_space<semaphore_mem>>) src(%dma_wait3A_534 : memref<10000x128xf32, #tpu.memory_space<hbm>>) dst(%dma_wait3A_528 : memref<40x128xf32, #tpu.memory_space<vmem>>)
    %dma_start3A_535 = arith.constant 0 : i32
    %dma_start3A_536 = arith.constant 0 : i32
    %dma_start3A_537 = arith.constant 0 : i32
    %dma_start3A_538 = arith.constant 0 : i32
    %dma_start3A_539 = arith.constant 0 : i32
    %dma_start3A_540 = tpu.memref_slice %arg7[%dma_start3A_535, %dma_start3A_538, %dma_start3A_539] : memref<4x40x128xf32, #tpu.memory_space<vmem>> -> memref<1x40x128xf32, #tpu.memory_space<vmem>>
    %dma_start3A_541 = tpu.memref_squeeze %dma_start3A_540 : memref<1x40x128xf32, #tpu.memory_space<vmem>> -> memref<40x128xf32, #tpu.memory_space<vmem>>
    %dma_start3A_542 = arith.constant 0 : i32
    %dma_start3A_543 = tpu.memref_slice %arg6[%dma_start3A_536, %dma_start3A_537, %dma_start3A_542] : memref<4x2x40xi32, #tpu.memory_space<vmem>> -> memref<1x1x40xi32, #tpu.memory_space<vmem>>
    %dma_start3A_544 = tpu.memref_squeeze %dma_start3A_543 : memref<1x1x40xi32, #tpu.memory_space<vmem>> -> memref<40xi32, #tpu.memory_space<vmem>>
    %dma_start3A_545 = arith.constant 0 : i32
    %dma_start3A_546 = arith.constant 0 : i32
    %dma_start3A_547 = tpu.memref_slice %arg10[%dma_start3A_545, %dma_start3A_546] : memref<10240x128xf32, #tpu.memory_space<vmem_shared>> -> memref<10240x128xf32, #tpu.memory_space<vmem_shared>>
    tpu.enqueue_indirect_dma source(%dma_start3A_541 : memref<40x128xf32, #tpu.memory_space<vmem>>) target(%dma_start3A_547 : memref<10240x128xf32, #tpu.memory_space<vmem_shared>>) offsets(%dma_start3A_544 : memref<40xi32, #tpu.memory_space<vmem>>) semaphore(%arg20 : memref<!tpu.dma_semaphore, #tpu.memory_space<semaphore_mem>>) {add = true}
    %dma_start3A_548 = arith.constant 0 : i32
    %dma_start3A_549 = arith.constant 0 : i32
    %dma_start3A_550 = arith.constant 0 : i32
    %dma_start3A_551 = tpu.memref_slice %arg6[%dma_start3A_548, %dma_start3A_549, %dma_start3A_550] : memref<4x2x40xi32, #tpu.memory_space<vmem>> -> memref<1x1x40xi32, #tpu.memory_space<vmem>>
    %dma_start3A_552 = tpu.memref_squeeze %dma_start3A_551 : memref<1x1x40xi32, #tpu.memory_space<vmem>> -> memref<40xi32, #tpu.memory_space<vmem>>
    %dma_start3A_553 = arith.constant 0 : i32
    %dma_start3A_554 = tpu.memref_slice %arg11[%dma_start3A_553] : memref<10240xf32, #tpu.memory_space<vmem_shared>> -> memref<10240xf32, #tpu.memory_space<vmem_shared>>
    tpu.enqueue_indirect_dma source(%arg8 : memref<40xf32, #tpu.memory_space<vmem>>) target(%dma_start3A_554 : memref<10240xf32, #tpu.memory_space<vmem_shared>>) offsets(%dma_start3A_552 : memref<40xi32, #tpu.memory_space<vmem>>) semaphore(%arg24 : memref<!tpu.dma_semaphore, #tpu.memory_space<semaphore_mem>>) {add = true}
    %dma_wait3A_555 = arith.constant 3 : i32
    %dma_wait3A_556 = arith.constant 3 : i32
    %dma_wait3A_557 = arith.constant 0 : i32
    %dma_wait3A_558 = arith.constant 0 : i32
    %dma_wait3A_559 = arith.constant 0 : i32
    %dma_wait3A_560 = tpu.memref_slice %arg7[%dma_wait3A_555, %dma_wait3A_558, %dma_wait3A_559] : memref<4x40x128xf32, #tpu.memory_space<vmem>> -> memref<1x40x128xf32, #tpu.memory_space<vmem>>
    %dma_wait3A_561 = tpu.memref_squeeze %dma_wait3A_560 : memref<1x40x128xf32, #tpu.memory_space<vmem>> -> memref<40x128xf32, #tpu.memory_space<vmem>>
    %dma_wait3A_562 = arith.constant 0 : i32
    %dma_wait3A_563 = tpu.memref_slice %arg6[%dma_wait3A_556, %dma_wait3A_557, %dma_wait3A_562] : memref<4x2x40xi32, #tpu.memory_space<vmem>> -> memref<1x1x40xi32, #tpu.memory_space<vmem>>
    %dma_wait3A_564 = tpu.memref_squeeze %dma_wait3A_563 : memref<1x1x40xi32, #tpu.memory_space<vmem>> -> memref<40xi32, #tpu.memory_space<vmem>>
    %dma_wait3A_565 = arith.constant 0 : i32
    %dma_wait3A_566 = arith.constant 0 : i32
    %dma_wait3A_567 = tpu.memref_slice %arg10[%dma_wait3A_565, %dma_wait3A_566] : memref<10240x128xf32, #tpu.memory_space<vmem_shared>> -> memref<10240x128xf32, #tpu.memory_space<vmem_shared>>
    tpu.wait_indirect_dma semaphore(%arg23 : memref<!tpu.dma_semaphore, #tpu.memory_space<semaphore_mem>>) src(%dma_wait3A_561 : memref<40x128xf32, #tpu.memory_space<vmem>>) dst(%dma_wait3A_567 : memref<10240x128xf32, #tpu.memory_space<vmem_shared>>)
    %dma_wait3A_568 = arith.constant 3 : i32
    %dma_wait3A_569 = arith.constant 0 : i32
    %dma_wait3A_570 = arith.constant 0 : i32
    %dma_wait3A_571 = tpu.memref_slice %arg6[%dma_wait3A_568, %dma_wait3A_569, %dma_wait3A_570] : memref<4x2x40xi32, #tpu.memory_space<vmem>> -> memref<1x1x40xi32, #tpu.memory_space<vmem>>
    %dma_wait3A_572 = tpu.memref_squeeze %dma_wait3A_571 : memref<1x1x40xi32, #tpu.memory_space<vmem>> -> memref<40xi32, #tpu.memory_space<vmem>>
    %dma_wait3A_573 = arith.constant 0 : i32
    %dma_wait3A_574 = tpu.memref_slice %arg11[%dma_wait3A_573] : memref<10240xf32, #tpu.memory_space<vmem_shared>> -> memref<10240xf32, #tpu.memory_space<vmem_shared>>
    tpu.wait_indirect_dma semaphore(%arg27 : memref<!tpu.dma_semaphore, #tpu.memory_space<semaphore_mem>>) src(%arg8 : memref<40xf32, #tpu.memory_space<vmem>>) dst(%dma_wait3A_574 : memref<10240xf32, #tpu.memory_space<vmem_shared>>)
    %dma_wait3A_575 = arith.constant 1 : i32
    %dma_wait3A_576 = arith.constant 1 : i32
    %dma_wait3A_577 = arith.constant 1 : i32
    %dma_wait3A_578 = arith.constant 0 : i32
    %dma_wait3A_579 = arith.constant 0 : i32
    %dma_wait3A_580 = tpu.memref_slice %arg7[%dma_wait3A_577, %dma_wait3A_578, %dma_wait3A_579] : memref<4x40x128xf32, #tpu.memory_space<vmem>> -> memref<1x40x128xf32, #tpu.memory_space<vmem>>
    %dma_wait3A_581 = tpu.memref_squeeze %dma_wait3A_580 : memref<1x40x128xf32, #tpu.memory_space<vmem>> -> memref<40x128xf32, #tpu.memory_space<vmem>>
    %dma_wait3A_582 = arith.constant 0 : i32
    %dma_wait3A_583 = tpu.memref_slice %arg6[%dma_wait3A_575, %dma_wait3A_576, %dma_wait3A_582] : memref<4x2x40xi32, #tpu.memory_space<vmem>> -> memref<1x1x40xi32, #tpu.memory_space<vmem>>
    %dma_wait3A_584 = tpu.memref_squeeze %dma_wait3A_583 : memref<1x1x40xi32, #tpu.memory_space<vmem>> -> memref<40xi32, #tpu.memory_space<vmem>>
    %dma_wait3A_585 = arith.constant 0 : i32
    %dma_wait3A_586 = arith.constant 0 : i32
    %dma_wait3A_587 = tpu.memref_slice %arg2[%dma_wait3A_585, %dma_wait3A_586] : memref<10000x128xf32, #tpu.memory_space<hbm>> -> memref<10000x128xf32, #tpu.memory_space<hbm>>
    tpu.wait_indirect_dma semaphore(%arg17 : memref<!tpu.dma_semaphore, #tpu.memory_space<semaphore_mem>>) src(%dma_wait3A_587 : memref<10000x128xf32, #tpu.memory_space<hbm>>) dst(%dma_wait3A_581 : memref<40x128xf32, #tpu.memory_space<vmem>>)
    %dma_start3A_588 = arith.constant 1 : i32
    %dma_start3A_589 = arith.constant 1 : i32
    %dma_start3A_590 = arith.constant 0 : i32
    %dma_start3A_591 = arith.constant 0 : i32
    %dma_start3A_592 = arith.constant 0 : i32
    %dma_start3A_593 = tpu.memref_slice %arg7[%dma_start3A_588, %dma_start3A_591, %dma_start3A_592] : memref<4x40x128xf32, #tpu.memory_space<vmem>> -> memref<1x40x128xf32, #tpu.memory_space<vmem>>
    %dma_start3A_594 = tpu.memref_squeeze %dma_start3A_593 : memref<1x40x128xf32, #tpu.memory_space<vmem>> -> memref<40x128xf32, #tpu.memory_space<vmem>>
    %dma_start3A_595 = arith.constant 0 : i32
    %dma_start3A_596 = tpu.memref_slice %arg6[%dma_start3A_589, %dma_start3A_590, %dma_start3A_595] : memref<4x2x40xi32, #tpu.memory_space<vmem>> -> memref<1x1x40xi32, #tpu.memory_space<vmem>>
    %dma_start3A_597 = tpu.memref_squeeze %dma_start3A_596 : memref<1x1x40xi32, #tpu.memory_space<vmem>> -> memref<40xi32, #tpu.memory_space<vmem>>
    %dma_start3A_598 = arith.constant 0 : i32
    %dma_start3A_599 = arith.constant 0 : i32
    %dma_start3A_600 = tpu.memref_slice %arg10[%dma_start3A_598, %dma_start3A_599] : memref<10240x128xf32, #tpu.memory_space<vmem_shared>> -> memref<10240x128xf32, #tpu.memory_space<vmem_shared>>
    tpu.enqueue_indirect_dma source(%dma_start3A_594 : memref<40x128xf32, #tpu.memory_space<vmem>>) target(%dma_start3A_600 : memref<10240x128xf32, #tpu.memory_space<vmem_shared>>) offsets(%dma_start3A_597 : memref<40xi32, #tpu.memory_space<vmem>>) semaphore(%arg21 : memref<!tpu.dma_semaphore, #tpu.memory_space<semaphore_mem>>) {add = true}
    %dma_start3A_601 = arith.constant 1 : i32
    %dma_start3A_602 = arith.constant 0 : i32
    %dma_start3A_603 = arith.constant 0 : i32
    %dma_start3A_604 = tpu.memref_slice %arg6[%dma_start3A_601, %dma_start3A_602, %dma_start3A_603] : memref<4x2x40xi32, #tpu.memory_space<vmem>> -> memref<1x1x40xi32, #tpu.memory_space<vmem>>
    %dma_start3A_605 = tpu.memref_squeeze %dma_start3A_604 : memref<1x1x40xi32, #tpu.memory_space<vmem>> -> memref<40xi32, #tpu.memory_space<vmem>>
    %dma_start3A_606 = arith.constant 0 : i32
    %dma_start3A_607 = tpu.memref_slice %arg11[%dma_start3A_606] : memref<10240xf32, #tpu.memory_space<vmem_shared>> -> memref<10240xf32, #tpu.memory_space<vmem_shared>>
    tpu.enqueue_indirect_dma source(%arg8 : memref<40xf32, #tpu.memory_space<vmem>>) target(%dma_start3A_607 : memref<10240xf32, #tpu.memory_space<vmem_shared>>) offsets(%dma_start3A_605 : memref<40xi32, #tpu.memory_space<vmem>>) semaphore(%arg25 : memref<!tpu.dma_semaphore, #tpu.memory_space<semaphore_mem>>) {add = true}
    %dma_wait3A_608 = arith.constant 0 : i32
    %dma_wait3A_609 = arith.constant 0 : i32
    %dma_wait3A_610 = arith.constant 0 : i32
    %dma_wait3A_611 = arith.constant 0 : i32
    %dma_wait3A_612 = arith.constant 0 : i32
    %dma_wait3A_613 = tpu.memref_slice %arg7[%dma_wait3A_608, %dma_wait3A_611, %dma_wait3A_612] : memref<4x40x128xf32, #tpu.memory_space<vmem>> -> memref<1x40x128xf32, #tpu.memory_space<vmem>>
    %dma_wait3A_614 = tpu.memref_squeeze %dma_wait3A_613 : memref<1x40x128xf32, #tpu.memory_space<vmem>> -> memref<40x128xf32, #tpu.memory_space<vmem>>
    %dma_wait3A_615 = arith.constant 0 : i32
    %dma_wait3A_616 = tpu.memref_slice %arg6[%dma_wait3A_609, %dma_wait3A_610, %dma_wait3A_615] : memref<4x2x40xi32, #tpu.memory_space<vmem>> -> memref<1x1x40xi32, #tpu.memory_space<vmem>>
    %dma_wait3A_617 = tpu.memref_squeeze %dma_wait3A_616 : memref<1x1x40xi32, #tpu.memory_space<vmem>> -> memref<40xi32, #tpu.memory_space<vmem>>
    %dma_wait3A_618 = arith.constant 0 : i32
    %dma_wait3A_619 = arith.constant 0 : i32
    %dma_wait3A_620 = tpu.memref_slice %arg10[%dma_wait3A_618, %dma_wait3A_619] : memref<10240x128xf32, #tpu.memory_space<vmem_shared>> -> memref<10240x128xf32, #tpu.memory_space<vmem_shared>>
    tpu.wait_indirect_dma semaphore(%arg20 : memref<!tpu.dma_semaphore, #tpu.memory_space<semaphore_mem>>) src(%dma_wait3A_614 : memref<40x128xf32, #tpu.memory_space<vmem>>) dst(%dma_wait3A_620 : memref<10240x128xf32, #tpu.memory_space<vmem_shared>>)
    %dma_wait3A_621 = arith.constant 0 : i32
    %dma_wait3A_622 = arith.constant 0 : i32
    %dma_wait3A_623 = arith.constant 0 : i32
    %dma_wait3A_624 = tpu.memref_slice %arg6[%dma_wait3A_621, %dma_wait3A_622, %dma_wait3A_623] : memref<4x2x40xi32, #tpu.memory_space<vmem>> -> memref<1x1x40xi32, #tpu.memory_space<vmem>>
    %dma_wait3A_625 = tpu.memref_squeeze %dma_wait3A_624 : memref<1x1x40xi32, #tpu.memory_space<vmem>> -> memref<40xi32, #tpu.memory_space<vmem>>
    %dma_wait3A_626 = arith.constant 0 : i32
    %dma_wait3A_627 = tpu.memref_slice %arg11[%dma_wait3A_626] : memref<10240xf32, #tpu.memory_space<vmem_shared>> -> memref<10240xf32, #tpu.memory_space<vmem_shared>>
    tpu.wait_indirect_dma semaphore(%arg24 : memref<!tpu.dma_semaphore, #tpu.memory_space<semaphore_mem>>) src(%arg8 : memref<40xf32, #tpu.memory_space<vmem>>) dst(%dma_wait3A_627 : memref<10240xf32, #tpu.memory_space<vmem_shared>>)
    %dma_wait3A_628 = arith.constant 1 : i32
    %dma_wait3A_629 = arith.constant 1 : i32
    %dma_wait3A_630 = arith.constant 0 : i32
    %dma_wait3A_631 = arith.constant 0 : i32
    %dma_wait3A_632 = arith.constant 0 : i32
    %dma_wait3A_633 = tpu.memref_slice %arg7[%dma_wait3A_628, %dma_wait3A_631, %dma_wait3A_632] : memref<4x40x128xf32, #tpu.memory_space<vmem>> -> memref<1x40x128xf32, #tpu.memory_space<vmem>>
    %dma_wait3A_634 = tpu.memref_squeeze %dma_wait3A_633 : memref<1x40x128xf32, #tpu.memory_space<vmem>> -> memref<40x128xf32, #tpu.memory_space<vmem>>
    %dma_wait3A_635 = arith.constant 0 : i32
    %dma_wait3A_636 = tpu.memref_slice %arg6[%dma_wait3A_629, %dma_wait3A_630, %dma_wait3A_635] : memref<4x2x40xi32, #tpu.memory_space<vmem>> -> memref<1x1x40xi32, #tpu.memory_space<vmem>>
    %dma_wait3A_637 = tpu.memref_squeeze %dma_wait3A_636 : memref<1x1x40xi32, #tpu.memory_space<vmem>> -> memref<40xi32, #tpu.memory_space<vmem>>
    %dma_wait3A_638 = arith.constant 0 : i32
    %dma_wait3A_639 = arith.constant 0 : i32
    %dma_wait3A_640 = tpu.memref_slice %arg10[%dma_wait3A_638, %dma_wait3A_639] : memref<10240x128xf32, #tpu.memory_space<vmem_shared>> -> memref<10240x128xf32, #tpu.memory_space<vmem_shared>>
    tpu.wait_indirect_dma semaphore(%arg21 : memref<!tpu.dma_semaphore, #tpu.memory_space<semaphore_mem>>) src(%dma_wait3A_634 : memref<40x128xf32, #tpu.memory_space<vmem>>) dst(%dma_wait3A_640 : memref<10240x128xf32, #tpu.memory_space<vmem_shared>>)
    %dma_wait3A_641 = arith.constant 1 : i32
    %dma_wait3A_642 = arith.constant 0 : i32
    %dma_wait3A_643 = arith.constant 0 : i32
    %dma_wait3A_644 = tpu.memref_slice %arg6[%dma_wait3A_641, %dma_wait3A_642, %dma_wait3A_643] : memref<4x2x40xi32, #tpu.memory_space<vmem>> -> memref<1x1x40xi32, #tpu.memory_space<vmem>>
    %dma_wait3A_645 = tpu.memref_squeeze %dma_wait3A_644 : memref<1x1x40xi32, #tpu.memory_space<vmem>> -> memref<40xi32, #tpu.memory_space<vmem>>
    %dma_wait3A_646 = arith.constant 0 : i32
    %dma_wait3A_647 = tpu.memref_slice %arg11[%dma_wait3A_646] : memref<10240xf32, #tpu.memory_space<vmem_shared>> -> memref<10240xf32, #tpu.memory_space<vmem_shared>>
    tpu.wait_indirect_dma semaphore(%arg25 : memref<!tpu.dma_semaphore, #tpu.memory_space<semaphore_mem>>) src(%arg8 : memref<40xf32, #tpu.memory_space<vmem>>) dst(%dma_wait3A_647 : memref<10240xf32, #tpu.memory_space<vmem_shared>>)
    %barrier3A_648 = arith.constant 0 : index
    tpu.barrier barrier_id(%barrier3A_648)
    %mul3A_649 = arith.constant 10240 : i32
    %mul3A_650 = arith.muli %arg0, %mul3A_649 : i32
    %add3A = arith.addi %mul3A_650, %mul3A_0 : i32
    "tpu.region"() ({
      %run_scoped3A = tpu.sem_alloc : memref<!tpu.dma_semaphore, #tpu.memory_space<semaphore_mem>>
      %dma_start3A_654 = arith.constant 0 : i32
      %dma_start3A_655 = tpu.memref_slice %arg4[%add3A, %dma_start3A_654] : memref<20480x128xf32, #tpu.memory_space<hbm>> -> memref<640x128xf32, #tpu.memory_space<hbm>>
      %dma_start3A_656 = arith.constant 0 : i32
      %dma_start3A_657 = tpu.memref_slice %arg10[%mul3A_0, %dma_start3A_656] : memref<10240x128xf32, #tpu.memory_space<vmem_shared>> -> memref<640x128xf32, #tpu.memory_space<vmem_shared>>
      tpu.enqueue_dma source(%dma_start3A_657 : memref<640x128xf32, #tpu.memory_space<vmem_shared>>) target(%dma_start3A_655 : memref<640x128xf32, #tpu.memory_space<hbm>>) target_semaphore(%run_scoped3A : memref<!tpu.dma_semaphore, #tpu.memory_space<semaphore_mem>>)
      %dma_wait3A_658 = arith.constant 0 : i32
      %dma_wait3A_659 = tpu.memref_slice %arg4[%add3A, %dma_wait3A_658] : memref<20480x128xf32, #tpu.memory_space<hbm>> -> memref<640x128xf32, #tpu.memory_space<hbm>>
      %dma_wait3A_660 = arith.constant 0 : i32
      %dma_wait3A_661 = tpu.memref_slice %arg10[%mul3A_0, %dma_wait3A_660] : memref<10240x128xf32, #tpu.memory_space<vmem_shared>> -> memref<640x128xf32, #tpu.memory_space<vmem_shared>>
      tpu.wait_dma2 semaphore(%run_scoped3A : memref<!tpu.dma_semaphore, #tpu.memory_space<semaphore_mem>>) src(%dma_wait3A_661 : memref<640x128xf32, #tpu.memory_space<vmem_shared>>) dst(%dma_wait3A_659 : memref<640x128xf32, #tpu.memory_space<hbm>>)
      tpu.yield
    }) : () -> ()
    %mul3A_651 = arith.constant 10240 : i32
    %mul3A_652 = arith.muli %arg0, %mul3A_651 : i32
    %add3A_653 = arith.addi %mul3A_652, %mul3A_0 : i32
    "tpu.region"() ({
      %run_scoped3A = tpu.sem_alloc : memref<!tpu.dma_semaphore, #tpu.memory_space<semaphore_mem>>
      %dma_start3A_654 = tpu.memref_slice %arg5[%add3A_653] : memref<20480xf32, #tpu.memory_space<hbm>> -> memref<640xf32, #tpu.memory_space<hbm>>
      %dma_start3A_655 = tpu.memref_slice %arg11[%mul3A_0] : memref<10240xf32, #tpu.memory_space<vmem_shared>> -> memref<640xf32, #tpu.memory_space<vmem_shared>>
      tpu.enqueue_dma source(%dma_start3A_655 : memref<640xf32, #tpu.memory_space<vmem_shared>>) target(%dma_start3A_654 : memref<640xf32, #tpu.memory_space<hbm>>) target_semaphore(%run_scoped3A : memref<!tpu.dma_semaphore, #tpu.memory_space<semaphore_mem>>)
      %dma_wait3A_656 = tpu.memref_slice %arg5[%add3A_653] : memref<20480xf32, #tpu.memory_space<hbm>> -> memref<640xf32, #tpu.memory_space<hbm>>
      %dma_wait3A_657 = tpu.memref_slice %arg11[%mul3A_0] : memref<10240xf32, #tpu.memory_space<vmem_shared>> -> memref<640xf32, #tpu.memory_space<vmem_shared>>
      tpu.wait_dma2 semaphore(%run_scoped3A : memref<!tpu.dma_semaphore, #tpu.memory_space<semaphore_mem>>) src(%dma_wait3A_657 : memref<640xf32, #tpu.memory_space<vmem_shared>>) dst(%dma_wait3A_656 : memref<640xf32, #tpu.memory_space<hbm>>)
      tpu.yield
    }) : () -> ()
    return
  }
}

module attributes {stable_mosaic.version = 14 : i64} {
  func.func @body(%arg0: i32, %arg1: memref<2x1024x128xf32, #tpu.memory_space<vmem>>, %arg2: memref<2x1024x1xf32, #tpu.memory_space<vmem>>, %arg3: memref<1024x128xf32, #tpu.memory_space<vmem>>, %arg4: memref<128x128xf32, #tpu.memory_space<vmem>>, %arg5: memref<1024x128xf32, #tpu.memory_space<vmem>>) attributes {dimension_semantics = [#tpu.dimension_semantics<arbitrary>], iteration_bounds = array<i64: 10>, scalar_prefetch = 0 : i64, scratch_operands = 0 : i64, tpu.core_type = #tpu.core_type<tc>, window_params = [{transform_indices = @transform_0, window_bounds = array<i64: 2, 1024, 128>}, {transform_indices = @transform_1, window_bounds = array<i64: 2, 1024, 1>}, {transform_indices = @transform_2, window_bounds = array<i64: 1024, 128>}, {pipeline_mode = #tpu.pipeline_mode<synchronous>, transform_indices = @transform_3, window_bounds = array<i64: 128, 128>}, {transform_indices = @transform_4, window_bounds = array<i64: 1024, 128>}]} {
    %get3A = arith.constant 0 : index
    %get3A_0 = arith.constant 0 : index
    %get3A_1 = arith.constant 0 : index
    %get3A_2 = vector.load %arg1[%get3A, %get3A_0, %get3A_1] : memref<2x1024x128xf32, #tpu.memory_space<vmem>>, vector<1x1024x128xf32>
    %get3A_3 = vector.shape_cast %get3A_2 : vector<1x1024x128xf32> to vector<1024x128xf32>
    %get3A_4 = arith.constant 1 : index
    %get3A_5 = arith.constant 0 : index
    %get3A_6 = arith.constant 0 : index
    %get3A_7 = vector.load %arg1[%get3A_4, %get3A_5, %get3A_6] : memref<2x1024x128xf32, #tpu.memory_space<vmem>>, vector<1x1024x128xf32>
    %get3A_8 = vector.shape_cast %get3A_7 : vector<1x1024x128xf32> to vector<1024x128xf32>
    %add3A = arith.addf %get3A_3, %get3A_8 : vector<1024x128xf32>
    %get3A_9 = arith.constant 0 : index
    %get3A_10 = arith.constant 0 : index
    %get3A_11 = vector.load %arg3[%get3A_9, %get3A_10] : memref<1024x128xf32, #tpu.memory_space<vmem>>, vector<1024x128xf32>
    %add3A_12 = arith.addf %add3A, %get3A_11 : vector<1024x128xf32>
    %get3A_13 = arith.constant 0 : index
    %get3A_14 = arith.constant 0 : index
    %get3A_15 = arith.constant 0 : index
    %get3A_16 = vector.load %arg2[%get3A_13, %get3A_14, %get3A_15] : memref<2x1024x1xf32, #tpu.memory_space<vmem>>, vector<1x1024x1xf32>
    %get3A_17 = vector.shape_cast %get3A_16 : vector<1x1024x1xf32> to vector<1024x1xf32>
    %get3A_18 = arith.constant 1 : index
    %get3A_19 = arith.constant 0 : index
    %get3A_20 = arith.constant 0 : index
    %get3A_21 = vector.load %arg2[%get3A_18, %get3A_19, %get3A_20] : memref<2x1024x1xf32, #tpu.memory_space<vmem>>, vector<1x1024x1xf32>
    %get3A_22 = vector.shape_cast %get3A_21 : vector<1x1024x1xf32> to vector<1024x1xf32>
    %add3A_23 = arith.addf %get3A_17, %get3A_22 : vector<1024x1xf32>
    %add3A_24 = arith.constant 1.000000e+00 : f32
    %add3A_25 = vector.broadcast %add3A_24 : f32 to vector<1024x1xf32>
    %add3A_26 = arith.addf %add3A_23, %add3A_25 : vector<1024x1xf32>
    %get3A_27 = arith.constant 0 : index
    %get3A_28 = arith.constant 0 : index
    %get3A_29 = vector.load %arg4[%get3A_27, %get3A_28] : memref<128x128xf32, #tpu.memory_space<vmem>>, vector<128x128xf32>
    %dot_general3A = arith.constant dense<0.000000e+00> : vector<1024x128xf32>
    %dot_general3A_30 = tpu.matmul %add3A_12, %get3A_29, %dot_general3A {dimension_numbers = #tpu.dot_dimension_numbers<[1], [0], [0], [1], [0, 0, 1, 1], [], []>, transpose_lhs_hint = false} : vector<1024x128xf32>, vector<128x128xf32>, vector<1024x128xf32> -> vector<1024x128xf32>
    %div3A = vector.broadcast %add3A_26 : vector<1024x1xf32> to vector<1024x128xf32>
    %div3A_31 = arith.divf %dot_general3A_30, %div3A : vector<1024x128xf32>
    %swap3A = arith.constant 0 : index
    %swap3A_32 = arith.constant 0 : index
    %swap3A_33 = vector.load %arg5[%swap3A, %swap3A_32] : memref<1024x128xf32, #tpu.memory_space<vmem>>, vector<1024x128xf32>
    tpu.vector_store %arg5[%swap3A, %swap3A_32], %div3A_31 {strides = array<i32>} : memref<1024x128xf32, #tpu.memory_space<vmem>>, vector<1024x128xf32>,
    return
  }
  func.func @transform_0(%arg0: i32) -> (i32, i32, i32) {
    %c0_i32 = arith.constant 0 : i32
    %c0_i32_0 = arith.constant 0 : i32
    %c0_i32_1 = arith.constant 0 : i32
    return %c0_i32, %arg0, %c0_i32_0 : i32, i32, i32
  }
  func.func @transform_1(%arg0: i32) -> (i32, i32, i32) {
    %c0_i32 = arith.constant 0 : i32
    %c0_i32_0 = arith.constant 0 : i32
    %c0_i32_1 = arith.constant 0 : i32
    return %c0_i32, %arg0, %c0_i32_0 : i32, i32, i32
  }
  func.func @transform_2(%arg0: i32) -> (i32, i32) {
    %c0_i32 = arith.constant 0 : i32
    %c0_i32_0 = arith.constant 0 : i32
    return %arg0, %c0_i32 : i32, i32
  }
  func.func @transform_3(%arg0: i32) -> (i32, i32) {
    %c0_i32 = arith.constant 0 : i32
    %c0_i32_0 = arith.constant 0 : i32
    %c0_i32_1 = arith.constant 0 : i32
    return %c0_i32, %c0_i32_0 : i32, i32
  }
  func.func @transform_4(%arg0: i32) -> (i32, i32) {
    %c0_i32 = arith.constant 0 : i32
    %c0_i32_0 = arith.constant 0 : i32
    return %arg0, %c0_i32 : i32, i32
  }
}

</mosaic_0001>

<sc_bundles>
// kernel: kernel.4.cloned.1.call-start
scs
__scs_entry_jumppad:
0x0: {  	(pc) =	sbr.rel $0x88, $3  }
0x1: {  	(tag) =	ssettag $0x0;
	lr =	simm.s32 $0x1  }
0x2: {  	[smem:$0x3F9E] =	sst lr;
	_ =	strace $0xD0000000  }
0x3: {  	_ = 	snop  }
0x4: {  	_ = 	snop  }
0x5: {  	_ = 	snop  }
0x6: {  	_ = 	snop  }
0x7: {  	_ = 	snop  }
__scs_overlays_trampoline_lowered:
0x8: {  	[smem:$0x3FAD] =	sst s0  }
0x9: {  	[smem:$0x3FAE] =	sst s1  }
0xa: {  	[smem:$0x3FAF] =	sst s2  }
0xb: {  	[smem:$0x3FB0] =	sst s3  }
0xc: {  	[smem:$0x3FB1] =	sst s4  }
0xd: {  	[smem:$0x3FB2] =	sst s5  }
0xe: {  	[smem:$0x3FB3] =	sst s6  }
0xf: {  	[smem:$0x3FB4] =	sst s7  }
0x10: {  	[smem:$0x3FB5] =	sst s8  }
0x11: {  	[smem:$0x3FB6] =	sst s9;
	s0 =	simm.s32 @!p0 $0x0  }
0x12: {  	s1 =	sld [smem:$0x3F9C];
	s0 =	simm.s32 @p0 $0x1  }
0x13: {  	[smem:$0x3FB7] =	sst s0;
	s0 =	simm.s32 @!p1 $0x0  }
0x14: {  	s2 =	sld [smem:$0x3F9B];
	s0 =	simm.s32 @p1 $0x1  }
0x15: {  	[smem:$0x3FB8] =	sst s0;
	s0 =	simm.s32 @!p2 $0x0  }
0x16: {  	s3 =	sld [smem:$0x3FDB];
	s0 =	simm.s32 @p2 $0x1  }
0x17: {  	s4 =	simm.s32 $0x1BF5;
	[smem:$0x3FBA] =	sst s0  }
0x18: {  	s0 =	sld [smem:$0x3F9D];
	_ =	swait.ge [sflag:s4], $0x0  }
0x19: {  	s7 =	sld [smem:$0x3F9E]  }
0x1a: {  	s8 =	sadd.s32 $0xFFFFE003, lr  }
0x1b: {  	s9 =	sadd.s32 $0xFFFFFEF7, lr;
	s5 =	simm.s32 $0xFFFFFFFF;
	p2 =	slt.u32 s8, $0xFFFFF086  }
0x1c: {  	p1 =	slt.u32 s9, $0xF7A;
	s5 =	simm.s32 @!p2 $0x0  }
0x1d: {  	s5 =	simm.s32 @p1 $0x1;
	p0 =	seq.s32 s7, s2  }
0x1e: {  	s7 =	smul.u32 @!p0 $0xF7A, s2;
	p2 =	seq.s32 @!p0 s5, $0x0  }
0x1f: {  	s9 =	smul.u32 $0xF7A, s1;
	s8 =	simm.s32 @!p0 $0x1BF5;
	p2 =	por !p2, p0  }
0x20: {  	[sflag:s8] =	ssyncset.s32 @!p0 $0xFFFFF086;
	s6 =	sadd.s32 @!p0 s3, s7;
	s7 =	simm.s32 @!p0 $0x108  }
0x21: {  	s3 =	sadd.s32 s3, s9;
	s6 =	sadd.s32 @!p0 $0x88, s6;
	s7 =	simm.s32 @p2 $0x1082  }
0x22: {  	[simem:s7], [sflag:s8] =	dma.local @!p0 [hbm:s6], $0xF7A  }
0x23: {  	s9 =	sor.u32 $0xD0000000, s2;
	s6 =	simm.s32 $0x108;
	_ =	swait.ge @!p0 [sflag:s8], $0x0  }
0x24: {  	s3 =	sadd.s32 $0x88, s3;
	s6 =	simm.s32 @!p1 $0x1082;
	[sflag:s4] =	ssyncset.s32 $0xFFFFF086  }
0x25: {  	[simem:s6], [sflag:s4] =	dma.local [hbm:s3], $0xF7A  }
0x26: {  	[smem:$0x3F9E] =	sst s1;
	(tag) =	ssettag s2;
	_ =	strace s9  }
0x27: {  	s1 =	sld [smem:$0x3FAE]  }
0x28: {  	s2 =	sld [smem:$0x3FAF]  }
0x29: {  	s4 =	sld [smem:$0x3FB1]  }
0x2a: {  	p0 =	seq.s32 s5, $0x0;
	s5 =	sld [smem:$0x3FB2]  }
0x2b: {  	s6 =	sld [smem:$0x3FB3]  }
0x2c: {  	s7 =	sld [smem:$0x3FB4]  }
0x2d: {  	s3 =	simm.s32 $0x108;
	s8 =	sld [smem:$0x3FB5]  }
0x2e: {  	s3 =	simm.s32 @!p0 $0x1082;
	s9 =	sld [smem:$0x3FB6]  }
0x2f: {  	lr =	sadd.s32 s0, s3;
	s0 =	sld [smem:$0x3FAD]  }
0x30: {  	s3 =	sld [smem:$0x3FB0]  }
0x31: {  	[smem:$0x3FB9] =	sst s10  }
0x32: {  	s10 =	sld [smem:$0x3FB7];
	_ =	sdelay $0x3  }
0x33: {  	p0 =	seq.s32 s10, $0x1;
	s10 =	sld [smem:$0x3FB9];
	_ =	sdelay $0x3  }
0x34: {  	[smem:$0x3FB9] =	sst s10  }
0x35: {  	s10 =	sld [smem:$0x3FB8];
	_ =	sdelay $0x3  }
0x36: {  	p1 =	seq.s32 s10, $0x1;
	s10 =	sld [smem:$0x3FB9];
	_ =	sdelay $0x3  }
0x37: {  	[smem:$0x3FB9] =	sst s10  }
0x38: {  	s10 =	sld [smem:$0x3FBA]  }
0x39: {  	_ = 	snop;
	(pc) =	sbr.ind lr, $3  }
0x3a: {  	_ = 	snop  }
0x3b: {  	_ = 	snop  }
0x3c: {  	p2 =	seq.s32 s10, $0x1;
	s10 =	sld [smem:$0x3FB9]  }
0x3d: {  	_ =	shalt  }
0x3e: {  	_ =	shalt  }
0x3f: {  	_ =	shalt  }
0x40: {  	_ =	shalt  }
0x41: {  	_ =	shalt  }
0x42: {  	_ =	shalt  }
0x43: {  	_ =	shalt  }
0x44: {  	_ =	shalt  }
0x45: {  	_ =	shalt  }
0x46: {  	_ =	shalt  }
0x47: {  	_ =	shalt  }
0x48: {  	_ =	shalt  }
0x49: {  	_ =	shalt  }
0x4a: {  	_ =	shalt  }
0x4b: {  	_ =	shalt  }
0x4c: {  	_ =	shalt  }
0x4d: {  	_ =	shalt  }
0x4e: {  	_ =	shalt  }
0x4f: {  	_ =	shalt  }
0x50: {  	_ =	shalt  }
0x51: {  	_ =	shalt  }
0x52: {  	_ =	shalt  }
0x53: {  	_ =	shalt  }
0x54: {  	_ =	shalt  }
0x55: {  	_ =	shalt  }
0x56: {  	_ =	shalt  }
0x57: {  	_ =	shalt  }
0x58: {  	_ =	shalt  }
0x59: {  	_ =	shalt  }
0x5a: {  	_ =	shalt  }
0x5b: {  	_ =	shalt  }
0x5c: {  	_ =	shalt  }
0x5d: {  	_ =	shalt  }
0x5e: {  	_ =	shalt  }
0x5f: {  	_ =	shalt  }
0x60: {  	_ =	shalt  }
0x61: {  	_ =	shalt  }
0x62: {  	_ =	shalt  }
0x63: {  	_ =	shalt  }
0x64: {  	_ =	shalt  }
0x65: {  	_ =	shalt  }
0x66: {  	_ =	shalt  }
0x67: {  	_ =	shalt  }
0x68: {  	_ =	shalt  }
0x69: {  	_ =	shalt  }
0x6a: {  	_ =	shalt  }
0x6b: {  	_ =	shalt  }
0x6c: {  	_ =	shalt  }
0x6d: {  	_ =	shalt  }
0x6e: {  	_ =	shalt  }
0x6f: {  	_ =	shalt  }
0x70: {  	_ =	shalt  }
0x71: {  	_ =	shalt  }
0x72: {  	_ =	shalt  }
0x73: {  	_ =	shalt  }
0x74: {  	_ =	shalt  }
0x75: {  	_ =	shalt  }
0x76: {  	_ =	shalt  }
0x77: {  	_ =	shalt  }
0x78: {  	_ =	shalt  }
0x79: {  	_ =	shalt  }
0x7a: {  	_ =	shalt  }
0x7b: {  	_ =	shalt  }
0x7c: {  	_ =	shalt  }
0x7d: {  	_ =	shalt  }
0x7e: {  	_ =	shalt  }
0x7f: {  	_ =	shalt  }
0x80: {  	_ =	shalt  }
0x81: {  	_ =	shalt  }
0x82: {  	_ =	shalt  }
0x83: {  	_ =	shalt  }
0x84: {  	_ =	shalt  }
0x85: {  	_ =	shalt  }
0x86: {  	_ =	shalt  }
0x87: {  	_ =	shalt  }
.Lfunc_end0:
.L_simem_size_0:
called_computation_lowered:
.L_overlay_start_0:
0x88: {  	s2 =	sld [smem:$0x3FD9]  }
0x89: {  	s3 =	sld [smem:$0x3FFE];
	_ =	sdelay $0x1  }
0x8a: {  	s1 =	srdreg.scid  }
0x8b: {  	s0 =	sand.u32 $0x1, s1  }
0x8c: {  	s17 =	sshll.u32 s0, $0xA;
	s2 =	sadd.s32 s3, s2  }
0x8d: {  	s2 =	sadd.s32 s2, s17  }
0x8e: {  	[smem:$0x3FC5] =	sst s2  }
0x8f: {  	_ = 	snop  }
0x90: {  	s2 =	sld [smem:$0x3FC9]  }
0x91: {  	s18 =	sld [smem:$0x3FD0];
	(tm) =	ssettm $0x1  }
0x92: {  	s4 =	sld [smem:$0x3FFB];
	_ =	sdelay $0x3  }
0x93: {  	_ =	strace s4  }
0x94: {  	s4 =	sld [smem:$0x3FFC];
	_ =	sdelay $0x3  }
0x95: {  	_ =	strace s4  }
0x96: {  	s4 =	sld [smem:$0x3FFD];
	_ =	sdelay $0x3  }
0x97: {  	_ =	strace s4  }
0x98: {  	_ =	strace $0x8FFFFFFF  }
0x99: {  	s19 =	sld [smem:$0x3FDB];
	_ =	sdelay $0x1  }
0x9a: {  	s5 =	simm.s32 $_scs_section_size  }
0x9b: {  	s6 =	simm.s32 $_size__tile_overlayer_lowered;
	s7 =	simm.s32 $_tile_overlayer_lowered  }
0x9c: {  	s22 =	simm.s32 $0x1BFF;
	s21 =	sshll.u32 s7, $0x1;
	s4 =	sadd.s32 s5, s19  }
0x9d: {  	s8 =	simm.s32 $0x0;
	s20 =	sshll.u32 s6, $0x1;
	s6 =	sadd.s32 s21, s4  }
0x9e: {  	[timem:s8], [sflag:s22] =	dma.local [hbm:s6], s20  }
0x9f: {  	_ =	swait.ge [sflag:s22], s20  }
0xa0: {  	s5 =	ssub.s32 $0x0, s20;
	[sflag:s22] =	ssyncset.done $0x0  }
0xa1: {  	[sflag:s22] =	ssyncadd.s32 s5;
	_ =	sdelay $0x1  }
0xa2: {  	s23 =	simm.s32 $0x1B8B  }
0xa3: {  	_ =	swait.ge [sflag:s23], $0x1  }
0xa4: {  	[sflag:s23] =	ssyncset.done $0x0  }
0xa5: {  	s25 =	simm.s32 $0x1B8E;
	s24 =	sld [smem:$0x3FFE];
	[sflag:s23] =	ssyncadd.s32 $0xFFFFFFFF  }
0xa6: {  	s26 =	simm.s32 $execute0_lowered;
	[smem:$0x3FD2] =	sst s25  }
0xa7: {  	s6 =	sshll.u32 s26, $0x1;
	_ =	strace $0x80000046;
	[dreg:$0x1] =	wrdreg $0xFFFFFFFF  }
0xa8: {  	s28 =	simm.s32 $_size_execute0_lowered;
	s4 =	sadd.s32 s4, s6;
	[dreg:$0x0] =	wrdreg $0x0  }
0xa9: {  	s6 =	sshll.u32 s28, $0x1;
	[dreg:$0x2] =	wrdreg s4  }
0xaa: {  	[dreg:$0x3] =	wrdreg s6  }
0xab: {  	[dreg:$0x4] =	wrdreg $0xC0  }
0xac: {  	_ =	task [dreg:s8], $0x5FFFF  }
0xad: {  	[dreg:$0x1] =	wrdreg $0xFFFFFFFF  }
0xae: {  	[dreg:$0x0] =	wrdreg $0x60  }
0xaf: {  	[dreg:$0x2] =	wrdreg s2  }
0xb0: {  	[dreg:$0x3] =	wrdreg s24  }
0xb1: {  	[dreg:$0x4] =	wrdreg s18  }
0xb2: {  	[dreg:$0x5] =	wrdreg $0x57000  }
0xb3: {  	[dreg:$0x6] =	wrdreg $0x197000  }
0xb4: {  	[dreg:$0x7] =	wrdreg $0x9  }
0xb5: {  	_ =	task.clear_ibuf [dreg:s8], $0x8FFFF;
	_ =	strace $0x90000046  }
0xb6: {  	s29 =	simm.s32 $0x9;
	_ =	strace $0x80000048  }
0xb7: {  	_ =	swait.ge [sflag:s29], $0x1  }
0xb8: {  	[sflag:s29] =	ssyncadd.s32 $0xFFFFFFFF  }
0xb9: {  	_ =	strace $0x90000048  }
0xba: {  	_ =	sfence  }
0xbb: {  	s30 =	sld [smem:$0x0];
	_ =	sdelay $0x2  }
0xbc: {  	s31 =	sshll.u32 s1, $0xD;
	s1 =	sshrl.u32 s1, $0x2  }
0xbd: {  	s3 =	sand.u32 $0x4000, s31;
	s1 =	sadd.s32 s1, s30  }
0xbe: {  	s0 =	sor.u32 s3, s0;
	s1 =	sshll.u32 s1, $0x11  }
0xbf: {  	s0 =	sor.u32 s1, s0  }
0xc0: {  	s0 =	sadd.s32 $0x8F2B, s0  }
0xc1: {  	[sflag:s0] =	ssyncadd.remote.s32 $0x1  }
0xc2: {  	_ =	sfence.sel $0xFFFF  }
0xc3: {  	[dreg:$0x0] =	wrdreg $0xFFFFFFFF;
	(pc) =	sbr.abs _section_cstart, $3  }
0xc4: {  	[dreg:$0x1] =	wrdreg $0xFFFFFFFF  }
0xc5: {  	_ =	task.clear_ibuf [dreg:s8], $0x2FFFF;
	_ =	strace $0x9FFFFFFF  }
0xc6: {  	(tm) =	ssettm $0x7FFFFFFF  }
0xc7: {  	_ =	shalt  }
tec
execute0_lowered:
.L_overlay_start_1:
0x0: {  	(tag) =	ssettag $0x1  }
0x1: {  	s3 =	rddreg [dreg:$0x0]  }
0x2: {  	s0 =	rddreg [dreg:$0x1]  }
0x3: {  	s2 =	rddreg [dreg:$0x2]  }
0x4: {  	s4 =	srdreg.scid;
	s12 =	stileid.u32  }
0x5: {  	s1 =	rddreg [dreg:$0x3];
	s7 =	smul.u32 $0x280, s12  }
0x6: {  	s26 =	rddreg [dreg:$0x4];
	s10 =	smul.u32 $0xFA00, s12  }
0x7: {  	s5 =	simm.s32 $0x0;
	s6 =	sand.u32 $0x1, s4;
	s13 =	smul.u32 $0x50000, s12  }
0x8: {  	[smem:$0x7FF] =	sst s5;
	s14 =	sadd.s32 $0x1400, s0;
	s8 =	smul.u32 $0x2800, s6  }
0x9: {  	s9 =	smul.u32 $0xFA000, s6;
	_ =	strace $0x80000047;
	s6 =	ssub.s32 $0x2, s6  }
0xa: {  	[dreg:$0x9] =	wrdreg s14;
	s28 =	sshrl.u32 s6, $0x1;
	s19 =	sshrl.u32 s13, $0x2  }
0xb: {  	s8 =	sadd.s32 s7, s8;
	s9 =	sadd.s32 s10, s9;
	s7 =	sadd.s32 s7, s26  }
0xc: {  	s6 =	ssub.s32 s6, s28;
	s10 =	sadd.s32 s19, s1;
	[dreg:$0xb] =	wrdreg s7  }
0xd: {  	s23 =	smax.u32 s6, $0x1;
	[dreg:$0x11] =	wrdreg s10  }
0xe: {  	s24 =	sadd.s32 $0x1400, s10;
	[dreg:$0x14] =	wrdreg s23  }
0xf: {  	s11 =	sshll.u32 s8, $0x4;
	s25 =	sadd.s32 $0x2800, s10;
	[dreg:$0x15] =	wrdreg s24  }
0x10: {  	s4 =	sshrl.u32 s9, $0x3;
	s12 =	sadd.s32 $0x5000, s10;
	[dreg:$0x16] =	wrdreg s25  }
0x11: {  	s21 =	sshrl.u32 s8, $0x3;
	s19 =	sadd.s32 $0xA000, s10;
	[dreg:$0x18] =	wrdreg s12  }
0x12: {  	s0 =	sadd.s32 s11, s0;
	s11 =	sadd.s32 s14, s4;
	[dreg:$0x1d] =	wrdreg s19  }
0x13: {  	s22 =	sadd.s32 s2, s21;
	[dreg:$0xa] =	wrdreg s11  }
0x14: {  	s4 =	smov.u32 s1;
	s1 =	sadd.s32 $0x3C00, s10;
	[dreg:$0x13] =	wrdreg s22  }
0x15: {  	s21 =	sadd.s32 $0xC800, s10;
	[dreg:$0x17] =	wrdreg s1  }
0x16: {  	s23 =	sadd.s32 $0xF000, s10;
	[dreg:$0x1f] =	wrdreg s21  }
0x17: {  	s29 =	simm.s32 $0x6;
	s24 =	sadd.s32 $0x10400, s10;
	[smem:$0x7FA] =	sst s23  }
0x18: {  	s30 =	simm.s32 $0x9;
	s25 =	sadd.s32 $0x11800, s10;
	[smem:$0x7FB] =	sst s24  }
0x19: {  	s31 =	simm.s32 $0x9;
	s15 =	sadd.s32 $0x20, s11;
	[smem:$0x7FC] =	sst s25  }
0x1a: {  	s28 =	sadd.s32 $0x700, s9;
	s16 =	sadd.s32 $0x40, s11;
	[dreg:$0xc] =	wrdreg s15  }
0x1b: {  	s6 =	sadd.s32 $0x600, s9;
	s17 =	sadd.s32 $0x60, s11;
	[dreg:$0xd] =	wrdreg s16  }
0x1c: {  	s7 =	sadd.s32 $0x500, s9;
	s18 =	sadd.s32 $0x1F00, s11;
	[dreg:$0xe] =	wrdreg s17  }
0x1d: {  	s2 =	sshrl.u32 s6, $0x3;
	s20 =	sadd.s32 $0x1F20, s11;
	[dreg:$0xf] =	wrdreg s18  }
0x1e: {  	s19 =	simm.s32 $0xF;
	s0 =	sadd.s32 $0x3FC00, s0;
	[dreg:$0x10] =	wrdreg s20  }
0x1f: {  	s8 =	sadd.s32 s2, s14;
	s11 =	sshrl.u32 s7, $0x3;
	[dreg:$0x12] =	wrdreg s0  }
0x20: {  	s22 =	sadd.s32 $0xDC00, s10;
	s21 =	simm.s32 $0x5;
	[dreg:$0x7] =	wrdreg s8  }
0x21: {  	s23 =	simm.s32 $0x300;
	s15 =	sadd.s32 $0x6400, s10;
	[smem:$0x7F9] =	sst s22  }
0x22: {  	s24 =	simm.s32 $0x3;
	s16 =	sadd.s32 $0x7800, s10;
	[dreg:$0x19] =	wrdreg s15  }
0x23: {  	s2 =	simm.s32 $0xD;
	s13 =	sadd.s32 s11, s14;
	[dreg:$0x1a] =	wrdreg s16  }
0x24: {  	s1 =	simm.s32 $0x0;
	s17 =	sadd.s32 $0x8C00, s10;
	[dreg:$0x8] =	wrdreg s13  }
0x25: {  	s25 =	simm.s32 $0xA;
	s18 =	sadd.s32 $0x400, s9;
	[dreg:$0x1b] =	wrdreg s17  }
0x26: {  	s0 =	sshrl.u32 s28, $0x3;
	s20 =	sadd.s32 $0xB400, s10;
	[dreg:$0x1c] =	wrdreg s18  }
0x27: {  	s28 =	sadd.s32 $0x12C00, s10;
	s22 =	simm.s32 $0x5400;
	[dreg:$0x1e] =	wrdreg s20  }
0x28: {  	s8 =	simm.s32 $0x7;
	s0 =	sadd.s32 s0, s14;
	[smem:$0x7FD] =	sst s28  }
0x29: {  	s13 =	simm.s32 $0x100;
	s15 =	simm.s32 $0x28;
	s20 =	simm.s32 $0x280  }
0x2a: {  	v0 =	vimm.f32 $0.0e+00;
	v1 =	vimm.f32 $1.000000000e+00;
	s17 =	simm.s32 $0x1;
	s18 =	simm.s32 $0x200;
	[dreg:$0x6] =	wrdreg s0  }
.LBB2_1:
0x2b: {  	[smem:$0x7F8] =	sst s1;
	s0 =	simm.s32 $0x0;
	s6 =	simm.s32 $0x200  }
.LBB2_2:
0x2c: {  	p0 =	sne.s32 s6, $0x4E00;
	[tilespmem:s0+$0x470] =	vst v0  }
0x2d: {  	[tilespmem:s0+$0x400] =	vst v0  }
0x2e: {  	[tilespmem:s0+$0x410] =	vst v0  }
.Ltmp0:
0x2f: {  	[tilespmem:s0+$0x420] =	vst v0;
	(pc) =	sbr.rel @p0 .LBB2_2-.Ltmp0, $4  }
0x30: {  	[tilespmem:s0+$0x430] =	vst v0  }
0x31: {  	[tilespmem:s0+$0x440] =	vst v0  }
0x32: {  	[tilespmem:s0+$0x450] =	vst v0  }
0x33: {  	[tilespmem:s0+$0x460] =	vst v0;
	s0 =	sshra.s32 s6, $0x2;
	s6 =	sadd.s32 $0x200, s6  }
0x34: {  	[tilespmem:s0+$0x470] =	vst v0  }
0x35: {  	[tilespmem:s0+$0x400] =	vst v0  }
0x36: {  	[tilespmem:s0+$0x410] =	vst v0  }
0x37: {  	[tilespmem:s0+$0x420] =	vst v0  }
0x38: {  	[tilespmem:s0+$0x430] =	vst v0  }
0x39: {  	[tilespmem:s0+$0x440] =	vst v0  }
0x3a: {  	[tilespmem:s0+$0x450] =	vst v0  }
0x3b: {  	[tilespmem:s0+$0x460] =	vst v0;
	s1 =	simm.s32 $0x400;
	s6 =	simm.s32 $0x11  }
0x3c: {  	[spmem:s10] =	stream.linear.scatter [tilespmem:s1], [sflag:$0x11], $0x1400, $0x38;
	[tilespmem:$0x19980] =	vst v63  }
0x3d: {  	_ =	swait.ge [sflag:s6], $0x1400  }
0x3e: {  	[sflag:s6] =	ssyncset.done $0x0  }
0x3f: {  	s12 =	rddreg [dreg:$0x15];
	[sflag:s6] =	ssyncadd.s32 $0xFFFFEC00  }
0x40: {  	[spmem:s12] =	stream.linear.scatter [tilespmem:s1], [sflag:$0x11], $0x1400, $0x38;
	[tilespmem:$0x19980] =	vst v63  }
0x41: {  	_ =	swait.ge [sflag:s6], $0x1400  }
0x42: {  	[sflag:s6] =	ssyncset.done $0x0  }
0x43: {  	s16 =	rddreg [dreg:$0x16];
	[sflag:s6] =	ssyncadd.s32 $0xFFFFEC00  }
0x44: {  	[spmem:s16] =	stream.linear.scatter [tilespmem:s1], [sflag:$0x11], $0x1400, $0x38;
	[tilespmem:$0x19980] =	vst v63  }
0x45: {  	_ =	swait.ge [sflag:s6], $0x1400  }
0x46: {  	[sflag:s6] =	ssyncset.done $0x0  }
0x47: {  	s28 =	rddreg [dreg:$0x17];
	[sflag:s6] =	ssyncadd.s32 $0xFFFFEC00  }
0x48: {  	[spmem:s28] =	stream.linear.scatter [tilespmem:s1], [sflag:$0x11], $0x1400, $0x38;
	[tilespmem:$0x19980] =	vst v63  }
0x49: {  	_ =	swait.ge [sflag:s6], $0x1400  }
0x4a: {  	[sflag:s6] =	ssyncset.done $0x0  }
0x4b: {  	s7 =	rddreg [dreg:$0x18];
	[sflag:s6] =	ssyncadd.s32 $0xFFFFEC00  }
0x4c: {  	[spmem:s7] =	stream.linear.scatter [tilespmem:s1], [sflag:$0x11], $0x1400, $0x38;
	[tilespmem:$0x19980] =	vst v63  }
0x4d: {  	_ =	swait.ge [sflag:s6], $0x1400  }
0x4e: {  	[sflag:s6] =	ssyncset.done $0x0  }
0x4f: {  	s9 =	rddreg [dreg:$0x19];
	[sflag:s6] =	ssyncadd.s32 $0xFFFFEC00  }
0x50: {  	[spmem:s9] =	stream.linear.scatter [tilespmem:s1], [sflag:$0x11], $0x1400, $0x38;
	[tilespmem:$0x19980] =	vst v63  }
0x51: {  	_ =	swait.ge [sflag:s6], $0x1400  }
0x52: {  	[sflag:s6] =	ssyncset.done $0x0  }
0x53: {  	s10 =	rddreg [dreg:$0x1a];
	[sflag:s6] =	ssyncadd.s32 $0xFFFFEC00  }
0x54: {  	[spmem:s10] =	stream.linear.scatter [tilespmem:s1], [sflag:$0x11], $0x1400, $0x38;
	[tilespmem:$0x19980] =	vst v63  }
0x55: {  	_ =	swait.ge [sflag:s6], $0x1400  }
0x56: {  	[sflag:s6] =	ssyncset.done $0x0  }
0x57: {  	s11 =	rddreg [dreg:$0x1b];
	[sflag:s6] =	ssyncadd.s32 $0xFFFFEC00  }
0x58: {  	[spmem:s11] =	stream.linear.scatter [tilespmem:s1], [sflag:$0x11], $0x1400, $0x38;
	[tilespmem:$0x19980] =	vst v63  }
0x59: {  	_ =	swait.ge [sflag:s6], $0x1400  }
0x5a: {  	[sflag:s6] =	ssyncset.done $0x0  }
0x5b: {  	s12 =	rddreg [dreg:$0x1d];
	[sflag:s6] =	ssyncadd.s32 $0xFFFFEC00  }
0x5c: {  	[spmem:s12] =	stream.linear.scatter [tilespmem:s1], [sflag:$0x11], $0x1400, $0x38;
	[tilespmem:$0x19980] =	vst v63  }
0x5d: {  	_ =	swait.ge [sflag:s6], $0x1400  }
0x5e: {  	[sflag:s6] =	ssyncset.done $0x0  }
0x5f: {  	s16 =	rddreg [dreg:$0x1e];
	[sflag:s6] =	ssyncadd.s32 $0xFFFFEC00  }
0x60: {  	[spmem:s16] =	stream.linear.scatter [tilespmem:s1], [sflag:$0x11], $0x1400, $0x38;
	[tilespmem:$0x19980] =	vst v63  }
0x61: {  	_ =	swait.ge [sflag:s6], $0x1400  }
0x62: {  	[sflag:s6] =	ssyncset.done $0x0  }
0x63: {  	s28 =	rddreg [dreg:$0x1f];
	[sflag:s6] =	ssyncadd.s32 $0xFFFFEC00  }
0x64: {  	[spmem:s28] =	stream.linear.scatter [tilespmem:s1], [sflag:$0x11], $0x1400, $0x38;
	[tilespmem:$0x19980] =	vst v63  }
0x65: {  	_ =	swait.ge [sflag:s6], $0x1400  }
0x66: {  	s7 =	sld [smem:$0x7F9]  }
0x67: {  	[sflag:s6] =	ssyncset.done $0x0  }
0x68: {  	[sflag:s6] =	ssyncadd.s32 $0xFFFFEC00  }
0x69: {  	[spmem:s7] =	stream.linear.scatter [tilespmem:s1], [sflag:$0x11], $0x1400, $0x38;
	[tilespmem:$0x19980] =	vst v63  }
0x6a: {  	_ =	swait.ge [sflag:s6], $0x1400  }
0x6b: {  	s9 =	sld [smem:$0x7FA]  }
0x6c: {  	[sflag:s6] =	ssyncset.done $0x0  }
0x6d: {  	[sflag:s6] =	ssyncadd.s32 $0xFFFFEC00  }
0x6e: {  	[spmem:s9] =	stream.linear.scatter [tilespmem:s1], [sflag:$0x11], $0x1400, $0x38;
	[tilespmem:$0x19980] =	vst v63  }
0x6f: {  	_ =	swait.ge [sflag:s6], $0x1400  }
0x70: {  	s10 =	sld [smem:$0x7FB]  }
0x71: {  	[sflag:s6] =	ssyncset.done $0x0  }
0x72: {  	[sflag:s6] =	ssyncadd.s32 $0xFFFFEC00  }
0x73: {  	[spmem:s10] =	stream.linear.scatter [tilespmem:s1], [sflag:$0x11], $0x1400, $0x38;
	[tilespmem:$0x19980] =	vst v63  }
0x74: {  	_ =	swait.ge [sflag:s6], $0x1400  }
0x75: {  	s11 =	sld [smem:$0x7FC]  }
0x76: {  	[sflag:s6] =	ssyncset.done $0x0  }
0x77: {  	[sflag:s6] =	ssyncadd.s32 $0xFFFFEC00  }
0x78: {  	[spmem:s11] =	stream.linear.scatter [tilespmem:s1], [sflag:$0x11], $0x1400, $0x38;
	[tilespmem:$0x19980] =	vst v63  }
0x79: {  	_ =	swait.ge [sflag:s6], $0x1400  }
0x7a: {  	s12 =	sld [smem:$0x7FD]  }
0x7b: {  	[sflag:s6] =	ssyncset.done $0x0  }
0x7c: {  	[sflag:s6] =	ssyncadd.s32 $0xFFFFEC00  }
0x7d: {  	[spmem:s12] =	stream.linear.scatter [tilespmem:s1], [sflag:$0x11], $0x1400, $0x38;
	[tilespmem:$0x19980] =	vst v63  }
0x7e: {  	_ =	swait.ge [sflag:s6], $0x1400  }
0x7f: {  	[sflag:s6] =	ssyncset.done $0x0  }
0x80: {  	[sflag:s6] =	ssyncadd.s32 $0xFFFFEC00  }
0x81: {  	[tilespmem:$0x5480] =	vst v0  }
0x82: {  	[tilespmem:$0x5490] =	vst v0  }
0x83: {  	[tilespmem:$0x54A0] =	vst v0  }
0x84: {  	[tilespmem:$0x54B0] =	vst v0  }
0x85: {  	[tilespmem:$0x54C0] =	vst v0  }
0x86: {  	[tilespmem:$0x54D0] =	vst v0  }
0x87: {  	[tilespmem:$0x54E0] =	vst v0  }
0x88: {  	[tilespmem:$0x54F0] =	vst v0  }
0x89: {  	[tilespmem:$0x5500] =	vst v0  }
0x8a: {  	[tilespmem:$0x5510] =	vst v0  }
0x8b: {  	[tilespmem:$0x5520] =	vst v0  }
0x8c: {  	[tilespmem:$0x5530] =	vst v0  }
0x8d: {  	[tilespmem:$0x5540] =	vst v0  }
0x8e: {  	[tilespmem:$0x5550] =	vst v0  }
0x8f: {  	[tilespmem:$0x5560] =	vst v0  }
0x90: {  	[tilespmem:$0x5570] =	vst v0  }
0x91: {  	[tilespmem:$0x5580] =	vst v0  }
0x92: {  	[tilespmem:$0x5590] =	vst v0  }
0x93: {  	[tilespmem:$0x55A0] =	vst v0  }
0x94: {  	[tilespmem:$0x55B0] =	vst v0  }
0x95: {  	[tilespmem:$0x55C0] =	vst v0  }
0x96: {  	[tilespmem:$0x55D0] =	vst v0  }
0x97: {  	[tilespmem:$0x55E0] =	vst v0  }
0x98: {  	[tilespmem:$0x55F0] =	vst v0  }
0x99: {  	[tilespmem:$0x5600] =	vst v0  }
0x9a: {  	[tilespmem:$0x5610] =	vst v0  }
0x9b: {  	[tilespmem:$0x5620] =	vst v0  }
0x9c: {  	[tilespmem:$0x5630] =	vst v0  }
0x9d: {  	[tilespmem:$0x5640] =	vst v0  }
0x9e: {  	[tilespmem:$0x5650] =	vst v0  }
0x9f: {  	[tilespmem:$0x5660] =	vst v0  }
0xa0: {  	[tilespmem:$0x5670] =	vst v0  }
0xa1: {  	[tilespmem:$0x5680] =	vst v0  }
0xa2: {  	[tilespmem:$0x5690] =	vst v0  }
0xa3: {  	[tilespmem:$0x56A0] =	vst v0  }
0xa4: {  	[tilespmem:$0x56B0] =	vst v0  }
0xa5: {  	[tilespmem:$0x56C0] =	vst v0  }
0xa6: {  	[tilespmem:$0x56D0] =	vst v0  }
0xa7: {  	[tilespmem:$0x56E0] =	vst v0  }
0xa8: {  	s28 =	simm.s32 $0x5480;
	s16 =	rddreg [dreg:$0xb];
	[tilespmem:$0x56F0] =	vst v0  }
0xa9: {  	[spmem:s16] =	stream.linear.scatter [tilespmem:s28], [sflag:$0x11], $0x280, $0x38;
	[tilespmem:$0x19980] =	vst v63  }
0xaa: {  	_ =	swait.ge [sflag:s6], $0x280  }
0xab: {  	[sflag:s6] =	ssyncset.done $0x0  }
0xac: {  	[sflag:s6] =	ssyncadd.s32 $0xFFFFFD80  }
0xad: {  	[tilespmem:$0x5400] =	vst v1  }
0xae: {  	[tilespmem:$0x5410] =	vst v1  }
0xaf: {  	[tilespmem:$0x5418] =	vst v1  }
0xb0: {  	[bflag:$0x0] =	sbarrier.arrive $0xFFFF  }
0xb1: {  	s7 =	simm.s32 $0x0;
	s10 =	rddreg [dreg:$0xa]  }
0xb2: {  	[tilespmem:s7], [sflag:$0x1] =	stream.linear.gather [hbm4b:s10+s7], $0x100, $0x38;
	[tilespmem:$0x19980] =	vst v63  }
0xb3: {  	s11 =	rddreg [dreg:$0xc]  }
0xb4: {  	[tilespmem:s13], [sflag:$0x2] =	stream.linear.gather [hbm4b:s11+s7], $0x100, $0x38;
	[tilespmem:$0x19980] =	vst v63  }
0xb5: {  	_ =	swait.ge [sflag:s17], $0x100  }
0xb6: {  	[sflag:s17] =	ssyncset.done $0x0  }
0xb7: {  	s11 =	simm.s32 $0x80;
	[sflag:s17] =	ssyncadd.s32 $0xFFFFFF00  }
0xb8: {  	[tilespmem:s1], [sflag:$0x5] =	stream.indirect.gather [hbm4b:s3+s15], $0x80, s11, s15, $0xb8;
	[tilespmem:$0x19980] =	vst v63  }
0xb9: {  	s12 =	rddreg [dreg:$0xd]  }
0xba: {  	[tilespmem:s18], [sflag:$0x3] =	stream.linear.gather [hbm4b:s12+s7], $0x100, $0x38;
	[tilespmem:$0x19980] =	vst v63  }
0xbb: {  	s12 =	simm.s32 $0x2  }
0xbc: {  	_ =	swait.ge [sflag:s12], $0x100  }
0xbd: {  	[sflag:s12] =	ssyncset.done $0x0  }
0xbe: {  	s9 =	simm.s32 $0x1800;
	s28 =	simm.s32 $0x180;
	[sflag:s12] =	ssyncadd.s32 $0xFFFFFF00  }
0xbf: {  	[tilespmem:s9], [sflag:$0x6] =	stream.indirect.gather [hbm4b:s3+s15], $0x80, s28, s15, $0xb8;
	[tilespmem:$0x19980] =	vst v63  }
0xc0: {  	_ =	swait.ge [sflag:s21], $0x1400  }
0xc1: {  	[sflag:s21] =	ssyncset.done $0x0  }
0xc2: {  	[sflag:s21] =	ssyncadd.s32 $0xFFFFEC00  }
0xc3: {  	[spmem:s4] =	stream.indirect.scatter.add.f32 [tilespmem:s1], [sflag:$0x9], $0x80, s7, s15, $0xb8;
	[tilespmem:$0x19980] =	vst v63  }
0xc4: {  	_ = 	snop  }
0xc5: {  	[spmem:s26] =	stream.indirect.scatter.add.f32 [tilespmem:s22], [sflag:$0xD], $0x1, s7, s15, $0xb8;
	[tilespmem:$0x19980] =	vst v63  }
0xc6: {  	s16 =	rddreg [dreg:$0xe]  }
0xc7: {  	[tilespmem:s23], [sflag:$0x4] =	stream.linear.gather [hbm4b:s16+s7], $0x100, $0x38;
	[tilespmem:$0x19980] =	vst v63  }
0xc8: {  	_ =	swait.ge [sflag:s24], $0x100  }
0xc9: {  	[sflag:s24] =	ssyncset.done $0x0  }
0xca: {  	s10 =	simm.s32 $0x2C00;
	[sflag:s24] =	ssyncadd.s32 $0xFFFFFF00  }
0xcb: {  	[tilespmem:s10], [sflag:$0x7] =	stream.indirect.gather [hbm4b:s3+s15], $0x80, s20, s15, $0xb8;
	[tilespmem:$0x19980] =	vst v63  }
0xcc: {  	_ =	swait.ge [sflag:s29], $0x1400  }
0xcd: {  	[sflag:s29] =	ssyncset.done $0x0  }
0xce: {  	[sflag:s29] =	ssyncadd.s32 $0xFFFFEC00  }
0xcf: {  	[spmem:s4] =	stream.indirect.scatter.add.f32 [tilespmem:s9], [sflag:$0xA], $0x80, s13, s15, $0xb8;
	[tilespmem:$0x19980] =	vst v63  }
0xd0: {  	_ = 	snop  }
0xd1: {  	[spmem:s26] =	stream.indirect.scatter.add.f32 [tilespmem:s22], [sflag:$0xE], $0x1, s13, s15, $0xb8;
	[tilespmem:$0x19980] =	vst v63  }
0xd2: {  	_ =	swait.ge [sflag:s30], $0x1400  }
0xd3: {  	[sflag:s30] =	ssyncset.done $0x0  }
0xd4: {  	[sflag:s30] =	ssyncadd.s32 $0xFFFFEC00  }
0xd5: {  	_ =	swait.ge [sflag:s2], $0x28  }
0xd6: {  	s6 =	rddreg [dreg:$0x1c]  }
0xd7: {  	[sflag:s2] =	ssyncset.done $0x0;
	s7 =	sshrl.u32 s6, $0x3  }
0xd8: {  	[sflag:s2] =	ssyncadd.s32 $0xFFFFFFD8;
	s0 =	sadd.s32 s14, s7;
	s7 =	simm.s32 $0x4  }
0xd9: {  	[tilespmem:s5], [sflag:$0x1] =	stream.linear.gather [hbm4b:s0+s5], $0x100, $0x38;
	[tilespmem:$0x19980] =	vst v63  }
0xda: {  	_ =	swait.ge [sflag:s7], $0x100  }
0xdb: {  	[sflag:s7] =	ssyncset.done $0x0  }
0xdc: {  	s16 =	simm.s32 $0x4000;
	s14 =	simm.s32 $0x380;
	[sflag:s7] =	ssyncadd.s32 $0xFFFFFF00  }
0xdd: {  	[tilespmem:s16], [sflag:$0x8] =	stream.indirect.gather [hbm4b:s3+s15], $0x80, s14, s15, $0xb8;
	[tilespmem:$0x19980] =	vst v63  }
0xde: {  	_ =	swait.ge [sflag:s8], $0x1400  }
0xdf: {  	[sflag:s8] =	ssyncset.done $0x0  }
0xe0: {  	[sflag:s8] =	ssyncadd.s32 $0xFFFFEC00  }
0xe1: {  	[spmem:s4] =	stream.indirect.scatter.add.f32 [tilespmem:s10], [sflag:$0xB], $0x80, s18, s15, $0xb8;
	[tilespmem:$0x19980] =	vst v63  }
0xe2: {  	_ = 	snop  }
0xe3: {  	[spmem:s26] =	stream.indirect.scatter.add.f32 [tilespmem:s22], [sflag:$0xF], $0x1, s18, s15, $0xb8;
	[tilespmem:$0x19980] =	vst v63  }
0xe4: {  	_ =	swait.ge [sflag:s25], $0x1400  }
0xe5: {  	[sflag:s25] =	ssyncset.done $0x0  }
0xe6: {  	s14 =	simm.s32 $0xE;
	[sflag:s25] =	ssyncadd.s32 $0xFFFFEC00  }
0xe7: {  	_ =	swait.ge [sflag:s14], $0x28  }
0xe8: {  	s23 =	rddreg [dreg:$0x8];
	[sflag:s14] =	ssyncset.done $0x0  }
0xe9: {  	[sflag:s14] =	ssyncadd.s32 $0xFFFFFFD8;
	s0 =	sadd.s32 $0x0, s23  }
0xea: {  	[tilespmem:s13], [sflag:$0x2] =	stream.linear.gather [hbm4b:s0+s5], $0x100, $0x38;
	[tilespmem:$0x19980] =	vst v63  }
0xeb: {  	_ =	swait.ge [sflag:s17], $0x100  }
0xec: {  	[sflag:s17] =	ssyncset.done $0x0  }
0xed: {  	[sflag:s17] =	ssyncadd.s32 $0xFFFFFF00  }
0xee: {  	[tilespmem:s1], [sflag:$0x5] =	stream.indirect.gather [hbm4b:s3+s15], $0x80, s11, s15, $0xb8;
	[tilespmem:$0x19980] =	vst v63  }
0xef: {  	s11 =	simm.s32 $0x8  }
0xf0: {  	_ =	swait.ge [sflag:s11], $0x1400  }
0xf1: {  	[sflag:s11] =	ssyncset.done $0x0  }
0xf2: {  	s24 =	simm.s32 $0x300;
	[sflag:s11] =	ssyncadd.s32 $0xFFFFEC00  }
0xf3: {  	[spmem:s4] =	stream.indirect.scatter.add.f32 [tilespmem:s16], [sflag:$0xC], $0x80, s24, s15, $0xb8;
	[tilespmem:$0x19980] =	vst v63  }
0xf4: {  	s16 =	simm.s32 $0xB  }
0xf5: {  	[spmem:s26] =	stream.indirect.scatter.add.f32 [tilespmem:s22], [sflag:$0x10], $0x1, s24, s15, $0xb8;
	[tilespmem:$0x19980] =	vst v63  }
0xf6: {  	_ =	swait.ge [sflag:s16], $0x1400  }
0xf7: {  	[sflag:s16] =	ssyncset.done $0x0  }
0xf8: {  	[sflag:s16] =	ssyncadd.s32 $0xFFFFEC00  }
0xf9: {  	_ =	swait.ge [sflag:s19], $0x28  }
0xfa: {  	s23 =	rddreg [dreg:$0x7];
	[sflag:s19] =	ssyncset.done $0x0  }
0xfb: {  	[sflag:s19] =	ssyncadd.s32 $0xFFFFFFD8;
	s0 =	sadd.s32 $0x0, s23  }
0xfc: {  	[tilespmem:s18], [sflag:$0x3] =	stream.linear.gather [hbm4b:s0+s5], $0x100, $0x38;
	[tilespmem:$0x19980] =	vst v63  }
0xfd: {  	_ =	swait.ge [sflag:s12], $0x100  }
0xfe: {  	[sflag:s12] =	ssyncset.done $0x0  }
0xff: {  	[sflag:s12] =	ssyncadd.s32 $0xFFFFFF00  }
0x100: {  	[tilespmem:s9], [sflag:$0x6] =	stream.indirect.gather [hbm4b:s3+s15], $0x80, s28, s15, $0xb8;
	[tilespmem:$0x19980] =	vst v63  }
0x101: {  	_ =	swait.ge [sflag:s21], $0x1400  }
0x102: {  	[sflag:s21] =	ssyncset.done $0x0  }
0x103: {  	[sflag:s21] =	ssyncadd.s32 $0xFFFFEC00  }
0x104: {  	[spmem:s4] =	stream.indirect.scatter.add.f32 [tilespmem:s1], [sflag:$0x9], $0x80, s5, s15, $0xb8;
	[tilespmem:$0x19980] =	vst v63  }
0x105: {  	s23 =	simm.s32 $0xC  }
0x106: {  	[spmem:s26] =	stream.indirect.scatter.add.f32 [tilespmem:s22], [sflag:$0xD], $0x1, s5, s15, $0xb8;
	[tilespmem:$0x19980] =	vst v63  }
0x107: {  	_ =	swait.ge [sflag:s23], $0x1400  }
0x108: {  	[sflag:s23] =	ssyncset.done $0x0  }
0x109: {  	s1 =	simm.s32 $0x10;
	[sflag:s23] =	ssyncadd.s32 $0xFFFFEC00  }
0x10a: {  	_ =	swait.ge [sflag:s1], $0x28  }
0x10b: {  	s28 =	rddreg [dreg:$0x6];
	[sflag:s1] =	ssyncset.done $0x0  }
0x10c: {  	s29 =	simm.s32 $0x3;
	[sflag:s1] =	ssyncadd.s32 $0xFFFFFFD8;
	s0 =	sadd.s32 $0x0, s28  }
0x10d: {  	[tilespmem:s24], [sflag:$0x4] =	stream.linear.gather [hbm4b:s0+s5], $0x100, $0x38;
	[tilespmem:$0x19980] =	vst v63  }
0x10e: {  	_ =	swait.ge [sflag:s29], $0x100  }
0x10f: {  	[sflag:s29] =	ssyncset.done $0x0  }
0x110: {  	s30 =	simm.s32 $0x6;
	[sflag:s29] =	ssyncadd.s32 $0xFFFFFF00  }
0x111: {  	[tilespmem:s10], [sflag:$0x7] =	stream.indirect.gather [hbm4b:s3+s15], $0x80, s20, s15, $0xb8;
	[tilespmem:$0x19980] =	vst v63  }
0x112: {  	_ =	swait.ge [sflag:s30], $0x1400  }
0x113: {  	[sflag:s30] =	ssyncset.done $0x0  }
0x114: {  	s2 =	simm.s32 $0xD;
	[sflag:s30] =	ssyncadd.s32 $0xFFFFEC00  }
0x115: {  	[spmem:s4] =	stream.indirect.scatter.add.f32 [tilespmem:s9], [sflag:$0xA], $0x80, s13, s15, $0xb8;
	[tilespmem:$0x19980] =	vst v63  }
0x116: {  	s6 =	sadd.s32 $0x400, s6;
	s0 =	simm.s32 $0x80;
	s13 =	simm.s32 $0x100  }
.LBB2_4:
0x117: {  	[spmem:s26] =	stream.indirect.scatter.add.f32 [tilespmem:s22], [sflag:$0xE], $0x1, s13, s15, $0xb8;
	[tilespmem:$0x19980] =	vst v63  }
0x118: {  	_ =	swait.ge [sflag:s31], $0x1400  }
0x119: {  	[sflag:s31] =	ssyncset.done $0x0  }
0x11a: {  	[sflag:s31] =	ssyncadd.s32 $0xFFFFEC00  }
0x11b: {  	_ =	swait.ge [sflag:s2], $0x28  }
0x11c: {  	s20 =	sshrl.u32 s6, $0x3;
	[sflag:s2] =	ssyncset.done $0x0;
	s12 =	rddreg [dreg:$0x9]  }
0x11d: {  	[sflag:s2] =	ssyncadd.s32 $0xFFFFFFD8;
	s20 =	sadd.s32 s12, s20  }
0x11e: {  	[tilespmem:s5], [sflag:$0x1] =	stream.linear.gather [hbm4b:s20+s5], $0x100, $0x38;
	[tilespmem:$0x19980] =	vst v63  }
0x11f: {  	_ =	swait.ge [sflag:s7], $0x100  }
0x120: {  	[sflag:s7] =	ssyncset.done $0x0  }
0x121: {  	s28 =	simm.s32 $0x380;
	s12 =	simm.s32 $0x4000;
	[sflag:s7] =	ssyncadd.s32 $0xFFFFFF00  }
0x122: {  	[tilespmem:s12], [sflag:$0x8] =	stream.indirect.gather [hbm4b:s3+s15], $0x80, s28, s15, $0xb8;
	[tilespmem:$0x19980] =	vst v63  }
0x123: {  	_ =	swait.ge [sflag:s8], $0x1400  }
0x124: {  	[sflag:s8] =	ssyncset.done $0x0  }
0x125: {  	s21 =	simm.s32 $0x2C00;
	[sflag:s8] =	ssyncadd.s32 $0xFFFFEC00  }
0x126: {  	[spmem:s4] =	stream.indirect.scatter.add.f32 [tilespmem:s21], [sflag:$0xB], $0x80, s18, s15, $0xb8;
	[tilespmem:$0x19980] =	vst v63  }
0x127: {  	_ = 	snop  }
0x128: {  	[spmem:s26] =	stream.indirect.scatter.add.f32 [tilespmem:s22], [sflag:$0xF], $0x1, s18, s15, $0xb8;
	[tilespmem:$0x19980] =	vst v63  }
0x129: {  	_ =	swait.ge [sflag:s25], $0x1400  }
0x12a: {  	[sflag:s25] =	ssyncset.done $0x0  }
0x12b: {  	[sflag:s25] =	ssyncadd.s32 $0xFFFFEC00  }
0x12c: {  	_ =	swait.ge [sflag:s14], $0x28  }
0x12d: {  	s10 =	smov.u32 s0;
	s28 =	rddreg [dreg:$0x8];
	[sflag:s14] =	ssyncset.done $0x0  }
0x12e: {  	[sflag:s14] =	ssyncadd.s32 $0xFFFFFFD8;
	s20 =	sadd.s32 s10, s28  }
0x12f: {  	[tilespmem:s13], [sflag:$0x2] =	stream.linear.gather [hbm4b:s20+s5], $0x100, $0x38;
	[tilespmem:$0x19980] =	vst v63  }
0x130: {  	_ =	swait.ge [sflag:s17], $0x100  }
0x131: {  	[sflag:s17] =	ssyncset.done $0x0  }
0x132: {  	s22 =	simm.s32 $0x400;
	s28 =	simm.s32 $0x80;
	[sflag:s17] =	ssyncadd.s32 $0xFFFFFF00  }
0x133: {  	[tilespmem:s22], [sflag:$0x5] =	stream.indirect.gather [hbm4b:s3+s15], $0x80, s28, s15, $0xb8;
	[tilespmem:$0x19980] =	vst v63  }
0x134: {  	_ =	swait.ge [sflag:s11], $0x1400  }
0x135: {  	[sflag:s11] =	ssyncset.done $0x0  }
0x136: {  	[sflag:s11] =	ssyncadd.s32 $0xFFFFEC00  }
0x137: {  	[spmem:s4] =	stream.indirect.scatter.add.f32 [tilespmem:s12], [sflag:$0xC], $0x80, s24, s15, $0xb8;
	[tilespmem:$0x19980] =	vst v63  }
0x138: {  	s20 =	simm.s32 $0x5400  }
0x139: {  	[spmem:s26] =	stream.indirect.scatter.add.f32 [tilespmem:s20], [sflag:$0x10], $0x1, s24, s15, $0xb8;
	[tilespmem:$0x19980] =	vst v63  }
0x13a: {  	_ =	swait.ge [sflag:s16], $0x1400  }
0x13b: {  	[sflag:s16] =	ssyncset.done $0x0  }
0x13c: {  	[sflag:s16] =	ssyncadd.s32 $0xFFFFEC00  }
0x13d: {  	_ =	swait.ge [sflag:s19], $0x28  }
0x13e: {  	s12 =	rddreg [dreg:$0x7];
	[sflag:s19] =	ssyncset.done $0x0  }
0x13f: {  	[sflag:s19] =	ssyncadd.s32 $0xFFFFFFD8;
	s20 =	sadd.s32 s10, s12  }
0x140: {  	[tilespmem:s18], [sflag:$0x3] =	stream.linear.gather [hbm4b:s20+s5], $0x100, $0x38;
	[tilespmem:$0x19980] =	vst v63  }
0x141: {  	s20 =	simm.s32 $0x2  }
0x142: {  	_ =	swait.ge [sflag:s20], $0x100  }
0x143: {  	s9 =	simm.s32 $0x1800;
	[sflag:s20] =	ssyncset.done $0x0  }
0x144: {  	s21 =	simm.s32 $0x5;
	s28 =	simm.s32 $0x180;
	[sflag:s20] =	ssyncadd.s32 $0xFFFFFF00  }
0x145: {  	[tilespmem:s9], [sflag:$0x6] =	stream.indirect.gather [hbm4b:s3+s15], $0x80, s28, s15, $0xb8;
	[tilespmem:$0x19980] =	vst v63  }
0x146: {  	_ =	swait.ge [sflag:s21], $0x1400  }
0x147: {  	[sflag:s21] =	ssyncset.done $0x0  }
0x148: {  	[sflag:s21] =	ssyncadd.s32 $0xFFFFEC00  }
0x149: {  	[spmem:s4] =	stream.indirect.scatter.add.f32 [tilespmem:s22], [sflag:$0x9], $0x80, s5, s15, $0xb8;
	[tilespmem:$0x19980] =	vst v63  }
0x14a: {  	s22 =	simm.s32 $0x5400  }
0x14b: {  	[spmem:s26] =	stream.indirect.scatter.add.f32 [tilespmem:s22], [sflag:$0xD], $0x1, s5, s15, $0xb8;
	[tilespmem:$0x19980] =	vst v63  }
0x14c: {  	_ =	swait.ge [sflag:s23], $0x1400  }
0x14d: {  	[sflag:s23] =	ssyncset.done $0x0  }
0x14e: {  	[sflag:s23] =	ssyncadd.s32 $0xFFFFEC00  }
0x14f: {  	_ =	swait.ge [sflag:s1], $0x28  }
0x150: {  	s12 =	rddreg [dreg:$0x6];
	[sflag:s1] =	ssyncset.done $0x0  }
0x151: {  	[sflag:s1] =	ssyncadd.s32 $0xFFFFFFD8;
	s10 =	sadd.s32 s10, s12  }
0x152: {  	[tilespmem:s24], [sflag:$0x4] =	stream.linear.gather [hbm4b:s10+s5], $0x100, $0x38;
	[tilespmem:$0x19980] =	vst v63  }
0x153: {  	_ =	swait.ge [sflag:s29], $0x100  }
0x154: {  	p0 =	sne.s32 s0, $0x1E00;
	[sflag:s29] =	ssyncset.done $0x0  }
0x155: {  	s28 =	simm.s32 $0x280;
	s10 =	simm.s32 $0x2C00;
	[sflag:s29] =	ssyncadd.s32 $0xFFFFFF00  }
0x156: {  	[tilespmem:s10], [sflag:$0x7] =	stream.indirect.gather [hbm4b:s3+s15], $0x80, s28, s15, $0xb8;
	[tilespmem:$0x19980] =	vst v63  }
.Ltmp1:
0x157: {  	_ = 	snop;
	(pc) =	sbr.rel @p0 .LBB2_4-.Ltmp1, $4  }
0x158: {  	_ =	swait.ge [sflag:s30], $0x1400  }
0x159: {  	s0 =	sadd.s32 $0x80, s0;
	[sflag:s30] =	ssyncset.done $0x0  }
0x15a: {  	s6 =	sadd.s32 $0x400, s6;
	s9 =	simm.s32 $0x1800;
	[sflag:s30] =	ssyncadd.s32 $0xFFFFEC00  }
0x15b: {  	[spmem:s4] =	stream.indirect.scatter.add.f32 [tilespmem:s9], [sflag:$0xA], $0x80, s13, s15, $0xb8;
	[tilespmem:$0x19980] =	vst v63  }
0x15c: {  	[spmem:s26] =	stream.indirect.scatter.add.f32 [tilespmem:s22], [sflag:$0xE], $0x1, s13, s15, $0xb8;
	[tilespmem:$0x19980] =	vst v63  }
0x15d: {  	_ =	swait.ge [sflag:s31], $0x1400  }
0x15e: {  	[sflag:s31] =	ssyncset.done $0x0  }
0x15f: {  	[sflag:s31] =	ssyncadd.s32 $0xFFFFEC00  }
0x160: {  	_ =	swait.ge [sflag:s2], $0x28  }
0x161: {  	[sflag:s2] =	ssyncset.done $0x0  }
0x162: {  	s0 =	rddreg [dreg:$0xf];
	[sflag:s2] =	ssyncadd.s32 $0xFFFFFFD8  }
0x163: {  	[tilespmem:s5], [sflag:$0x1] =	stream.linear.gather [hbm4b:s0+s5], $0x100, $0x38;
	[tilespmem:$0x19980] =	vst v63  }
0x164: {  	_ =	swait.ge [sflag:s7], $0x100  }
0x165: {  	[sflag:s7] =	ssyncset.done $0x0  }
0x166: {  	s20 =	simm.s32 $0x4000;
	s28 =	simm.s32 $0x380;
	[sflag:s7] =	ssyncadd.s32 $0xFFFFFF00  }
0x167: {  	[tilespmem:s20], [sflag:$0x8] =	stream.indirect.gather [hbm4b:s3+s15], $0x80, s28, s15, $0xb8;
	[tilespmem:$0x19980] =	vst v63  }
0x168: {  	_ =	swait.ge [sflag:s8], $0x1400  }
0x169: {  	[sflag:s8] =	ssyncset.done $0x0  }
0x16a: {  	[sflag:s8] =	ssyncadd.s32 $0xFFFFEC00  }
0x16b: {  	[spmem:s4] =	stream.indirect.scatter.add.f32 [tilespmem:s10], [sflag:$0xB], $0x80, s18, s15, $0xb8;
	[tilespmem:$0x19980] =	vst v63  }
0x16c: {  	_ = 	snop  }
0x16d: {  	[spmem:s26] =	stream.indirect.scatter.add.f32 [tilespmem:s22], [sflag:$0xF], $0x1, s18, s15, $0xb8;
	[tilespmem:$0x19980] =	vst v63  }
0x16e: {  	_ =	swait.ge [sflag:s25], $0x1400  }
0x16f: {  	[sflag:s25] =	ssyncset.done $0x0  }
0x170: {  	[sflag:s25] =	ssyncadd.s32 $0xFFFFEC00  }
0x171: {  	_ =	swait.ge [sflag:s14], $0x28  }
0x172: {  	[sflag:s14] =	ssyncset.done $0x0  }
0x173: {  	s6 =	rddreg [dreg:$0x10];
	[sflag:s14] =	ssyncadd.s32 $0xFFFFFFD8  }
0x174: {  	[tilespmem:s13], [sflag:$0x2] =	stream.linear.gather [hbm4b:s6+s5], $0x100, $0x38;
	[tilespmem:$0x19980] =	vst v63  }
0x175: {  	_ =	swait.ge [sflag:s17], $0x100  }
0x176: {  	[sflag:s17] =	ssyncset.done $0x0  }
0x177: {  	s10 =	simm.s32 $0x400;
	s6 =	simm.s32 $0x80;
	[sflag:s17] =	ssyncadd.s32 $0xFFFFFF00  }
0x178: {  	[tilespmem:s10], [sflag:$0x5] =	stream.indirect.gather [hbm4b:s3+s15], $0x80, s6, s15, $0xb8;
	[tilespmem:$0x19980] =	vst v63  }
0x179: {  	_ =	swait.ge [sflag:s11], $0x1400  }
0x17a: {  	[sflag:s11] =	ssyncset.done $0x0  }
0x17b: {  	[sflag:s11] =	ssyncadd.s32 $0xFFFFEC00  }
0x17c: {  	[spmem:s4] =	stream.indirect.scatter.add.f32 [tilespmem:s20], [sflag:$0xC], $0x80, s24, s15, $0xb8;
	[tilespmem:$0x19980] =	vst v63  }
0x17d: {  	_ = 	snop  }
0x17e: {  	[spmem:s26] =	stream.indirect.scatter.add.f32 [tilespmem:s22], [sflag:$0x10], $0x1, s24, s15, $0xb8;
	[tilespmem:$0x19980] =	vst v63  }
0x17f: {  	_ =	swait.ge [sflag:s16], $0x1400  }
0x180: {  	[sflag:s16] =	ssyncset.done $0x0  }
0x181: {  	[sflag:s16] =	ssyncadd.s32 $0xFFFFEC00  }
0x182: {  	_ =	swait.ge [sflag:s19], $0x28  }
0x183: {  	[sflag:s19] =	ssyncset.done $0x0  }
0x184: {  	s11 =	simm.s32 $0x2;
	[sflag:s19] =	ssyncadd.s32 $0xFFFFFFD8  }
0x185: {  	_ =	swait.ge [sflag:s11], $0x100  }
0x186: {  	[sflag:s11] =	ssyncset.done $0x0  }
0x187: {  	s12 =	simm.s32 $0x180;
	[sflag:s11] =	ssyncadd.s32 $0xFFFFFF00  }
0x188: {  	[tilespmem:s9], [sflag:$0x6] =	stream.indirect.gather [hbm4b:s3+s15], $0x80, s12, s15, $0xb8;
	[tilespmem:$0x19980] =	vst v63  }
0x189: {  	_ =	swait.ge [sflag:s21], $0x1400  }
0x18a: {  	[sflag:s21] =	ssyncset.done $0x0  }
0x18b: {  	[sflag:s21] =	ssyncadd.s32 $0xFFFFEC00  }
0x18c: {  	[spmem:s4] =	stream.indirect.scatter.add.f32 [tilespmem:s10], [sflag:$0x9], $0x80, s5, s15, $0xb8;
	[tilespmem:$0x19980] =	vst v63  }
0x18d: {  	_ = 	snop  }
0x18e: {  	[spmem:s26] =	stream.indirect.scatter.add.f32 [tilespmem:s22], [sflag:$0xD], $0x1, s5, s15, $0xb8;
	[tilespmem:$0x19980] =	vst v63  }
0x18f: {  	_ =	swait.ge [sflag:s23], $0x1400  }
0x190: {  	[sflag:s23] =	ssyncset.done $0x0  }
0x191: {  	[sflag:s23] =	ssyncadd.s32 $0xFFFFEC00  }
0x192: {  	_ =	swait.ge [sflag:s1], $0x28  }
0x193: {  	[sflag:s1] =	ssyncset.done $0x0  }
0x194: {  	[sflag:s1] =	ssyncadd.s32 $0xFFFFFFD8  }
0x195: {  	_ =	swait.ge [sflag:s30], $0x1400  }
0x196: {  	[sflag:s30] =	ssyncset.done $0x0  }
0x197: {  	[sflag:s30] =	ssyncadd.s32 $0xFFFFEC00  }
0x198: {  	[spmem:s4] =	stream.indirect.scatter.add.f32 [tilespmem:s9], [sflag:$0xA], $0x80, s13, s15, $0xb8;
	[tilespmem:$0x19980] =	vst v63  }
0x199: {  	_ = 	snop  }
0x19a: {  	[spmem:s26] =	stream.indirect.scatter.add.f32 [tilespmem:s22], [sflag:$0xE], $0x1, s13, s15, $0xb8;
	[tilespmem:$0x19980] =	vst v63  }
0x19b: {  	_ =	swait.ge [sflag:s31], $0x1400  }
0x19c: {  	[sflag:s31] =	ssyncset.done $0x0  }
0x19d: {  	[sflag:s31] =	ssyncadd.s32 $0xFFFFEC00  }
0x19e: {  	_ =	swait.ge [sflag:s2], $0x28  }
0x19f: {  	[sflag:s2] =	ssyncset.done $0x0  }
0x1a0: {  	[sflag:s2] =	ssyncadd.s32 $0xFFFFFFD8  }
0x1a1: {  	_ =	swait.ge [sflag:s25], $0x1400  }
0x1a2: {  	[sflag:s25] =	ssyncset.done $0x0  }
0x1a3: {  	[sflag:s25] =	ssyncadd.s32 $0xFFFFEC00  }
0x1a4: {  	_ =	swait.ge [sflag:s14], $0x28  }
0x1a5: {  	[sflag:s14] =	ssyncset.done $0x0  }
0x1a6: {  	[sflag:s14] =	ssyncadd.s32 $0xFFFFFFD8  }
0x1a7: {  	s13 =	stileid.u32;
	[bflag:$0x0] =	sbarrier.arrive $0xFFFF  }
0x1a8: {  	s16 =	simm.s32 $0x11;
	s0 =	sshll.u32 s13, $0x6;
	s10 =	rddreg [dreg:$0x11]  }
0x1a9: {  	s0 =	sor.u32 $0x1C11, s0;
	s20 =	rddreg [dreg:$0x12];
	s14 =	sshrl.u32 s10, $0x3  }
0x1aa: {  	[hbm:s20], [sflag:s0] =	dma.local [spmem:s14], $0x2800  }
0x1ab: {  	_ =	swait.ge [sflag:s16], $0x2800  }
0x1ac: {  	[sflag:s16] =	ssyncset.done $0x0;
	s20 =	rddreg [dreg:$0xb]  }
0x1ad: {  	s23 =	rddreg [dreg:$0x13];
	[sflag:s16] =	ssyncadd.s32 $0xFFFFD800;
	s6 =	sshrl.u32 s20, $0x3  }
0x1ae: {  	[hbm:s23], [sflag:s0] =	dma.local [spmem:s6], $0x50  }
0x1af: {  	_ =	swait.ge [sflag:s16], $0x50  }
0x1b0: {  	s24 =	sld [smem:$0x7F8];
	_ =	sdelay $0x2  }
0x1b1: {  	s28 =	rddreg [dreg:$0x14];
	s1 =	sadd.s32 $0x1, s24  }
0x1b2: {  	p0 =	sne.s32 s1, s28  }
.Ltmp2:
0x1b3: {  	_ = 	snop;
	(pc) =	sbr.rel @p0 .LBB2_1-.Ltmp2, $4  }
0x1b4: {  	s29 =	simm.s32 $0x6  }
0x1b5: {  	s30 =	simm.s32 $0x9;
	s13 =	simm.s32 $0x100;
	s2 =	simm.s32 $0xD  }
0x1b6: {  	s20 =	simm.s32 $0x280;
	s23 =	simm.s32 $0x300;
	[sflag:s16] =	ssyncset.done $0x0  }
0x1b7: {  	s14 =	rddreg [dreg:$0x9];
	[sflag:s16] =	ssyncadd.s32 $0xFFFFFFB0;
	s24 =	simm.s32 $0x3  }
0x1b8: {  	_ =	sfence.sel $0x180000  }
0x1b9: {  	[bflag:$0x0] =	sbarrier.arrive $0xFFFF  }
0x1ba: {  	_ =	strace $0x90000047  }
0x1bb: {  	s0 =	stileid.u32;
	[bflag:$0x2] =	sbarrier.arrive $0xFFFF  }
0x1bc: {  	p0 =	sne.s32 s0, $0x0;
	s0 =	rddreg [dreg:$0x5]  }
0x1bd: {  	s0 =	sadd.s32 @!p0 $0x100000, s0  }
0x1be: {  	[sflag:s0] =	ssyncadd.tile.s32 @!p0 $0x1;
	_ =	shalt  }
.Lfunc_end2:
_tile_overlayer_lowered:
.L_overlay_start_2:
0x1bf: {  	(tag) =	ssettag $0x2  }
0x1c0: {  	s0 =	rddreg [dreg:$0x0];
	s2 =	stileid.u32  }
0x1c1: {  	s1 =	rddreg [dreg:$0x1];
	p0 =	sne.s32 s2, $0x0  }
0x1c2: {  	s3 =	rddreg [dreg:$0x2];
	[bflag:$0x3] =	sbarrier.arrive $0xFFFF;
	s2 =	simm.s32 @!p0 $0x1C11  }
0x1c3: {  	[timem:s3], [sflag:s2] =	dma.local @!p0 [hbm:s0], s1  }
0x1c4: {  	s0 =	simm.s32 @!p0 $0x11  }
0x1c5: {  	_ =	swait.ge @!p0 [sflag:s0], s1  }
0x1c6: {  	s1 =	ssub.s32 @!p0 $0x0, s1;
	[sflag:s0] =	ssyncset.done @!p0 $0x0  }
0x1c7: {  	[sflag:s0] =	ssyncadd.s32 @!p0 s1  }
0x1c8: {  	[bflag:$0x3] =	sbarrier.arrive $0xFFFF  }
0x1c9: {  	_ =	shalt  }

</sc_bundles>
